<compile_context>
chip_gen: v7x
topology: tpu7x:2x2x1
jax: 0.10.2.dev20260603
libtpu: 0.0.44.dev20260713+nightly
codegen_flags: <defaults>
</compile_context>

<pallas_src>
import functools

import jax
import jax.numpy as jnp
from jax import lax
from jax.experimental import pallas as pl
from jax.experimental.pallas import tpu as pltpu
from jax.experimental.pallas import tpu_sc as plsc

B, S, D = 4, 2048, 1024
T, K = 16, 4
TD = D // T
CTX = TD * (1 + K)
HID = TD * 2

BLK = 1024
SB = S // BLK

_INV_SQRT2 = 0.7071067811865476


def _layernorm(xb, g, bta):
    mu = jnp.mean(xb, axis=-1, keepdims=True)
    xc = xb - mu
    var = jnp.mean(xc * xc, axis=-1, keepdims=True)
    return xc * jax.lax.rsqrt(var + 1e-5) * g + bta


def _stats_body(x_ref, g_ref, b_ref, Wq_ref, bq_ref, Wk_ref, bk_ref,
                out_ref, acc_scr):
    sb = pl.program_id(1)
    xn = _layernorm(x_ref[0], g_ref[...], b_ref[...])
    part = jnp.sum(xn, axis=0, keepdims=True)

    @pl.when(sb == 0)
    def _():
        acc_scr[...] = part

    @pl.when(sb != 0)
    def _():
        acc_scr[...] += part

    @pl.when(sb == SB - 1)
    def _():
        row = acc_scr[...]
        tr = jnp.concatenate(
            [row[:, TD * t:TD * (t + 1)] for t in range(T)], axis=0
        ) * (1.0 / S)

        def proj_norm(W_ref, bias_ref):
            v = jax.lax.dot_general(tr, W_ref[...], (((1,), (0,)), ((), ())),
                                    precision=jax.lax.Precision.DEFAULT,
                                    preferred_element_type=jnp.float32)
            v = v + bias_ref[...]
            n = jnp.sqrt(jnp.sum(v * v, axis=-1, keepdims=True))
            return v / jnp.maximum(n, 1e-12)

        q = proj_norm(Wq_ref, bq_ref)
        k = proj_norm(Wk_ref, bk_ref)
        scores = jax.lax.dot_general(q, k, (((1,), (1,)), ((), ())),
                                     precision=jax.lax.Precision.DEFAULT,
                                     preferred_element_type=jnp.float32)
        row_i = jax.lax.broadcasted_iota(jnp.int32, (T, T), 0)
        col_i = jax.lax.broadcasted_iota(jnp.int32, (T, T), 1)
        out_ref[...] = jnp.where(row_i == col_i, -1e9, scores)


_SC_NC, _SC_NS = 2, 16
_ROWS = B * T
_ROWS_PER_W = _ROWS // (_SC_NC * _SC_NS)


def _topk_sc_body(scores_hbm, out_hbm, rows_v, idxs_v):
    wid = lax.axis_index("s") * _SC_NC + lax.axis_index("c")
    base = wid * (_ROWS_PER_W * T)
    pltpu.sync_copy(scores_hbm.at[pl.ds(base, _ROWS_PER_W * T)], rows_v)
    vals = lax.iota(jnp.int32, T)

    def _row(i, carry):
        _, sv = plsc.sort_key_val(rows_v[pl.ds(i * T, T)], vals,
                                  descending=True)
        idxs_v[pl.ds(i * T, T)] = sv
        return carry

    lax.fori_loop(0, _ROWS_PER_W, _row, 0)
    pltpu.sync_copy(idxs_v, out_hbm.at[pl.ds(base, _ROWS_PER_W * T)])


def _topk_sc(scores_flat):
    mesh = plsc.VectorSubcoreMesh(core_axis_name="c", subcore_axis_name="s")
    fn = functools.partial(
        pl.kernel,
        mesh=mesh,
        out_type=jax.ShapeDtypeStruct((_ROWS * T,), jnp.int32),
        scratch_types=[
            pltpu.VMEM((_ROWS_PER_W * T,), jnp.float32),
            pltpu.VMEM((_ROWS_PER_W * T,), jnp.int32),
        ],
        compiler_params=pltpu.CompilerParams(needs_layout_passes=False),
    )(_topk_sc_body)
    return fn(scores_flat)


def _main_body(routes_ref, x_ref, g_ref, bt_ref, W1_ref, b1_ref, W2_ref,
               b2_ref, out_ref, tiles_scr):
    b = pl.program_id(0)
    xb = x_ref[0]
    xn = _layernorm(xb, g_ref[...], bt_ref[...]).astype(jnp.bfloat16)
    for t in range(T):
        tiles_scr[t] = xn[:, TD * t:TD * (t + 1)]
    W1 = W1_ref[...]
    W2 = W2_ref[...]
    b1v = b1_ref[...]
    b2v = b2_ref[...]
    combs = []
    for t in range(T):
        base = (b * T + t) * T
        parts = [tiles_scr[t]]
        for kk in range(K):
            parts.append(tiles_scr[routes_ref[base + kk]])
        combs.append(jnp.concatenate(parts, axis=1))
    comb = jnp.concatenate(combs, axis=0)
    h = jax.lax.dot_general(comb, W1, (((1,), (0,)), ((), ())),
                            preferred_element_type=jnp.float32) + b1v
    h = h * (0.5 * jax.lax.erf(h * _INV_SQRT2) + 0.5)
    o = jax.lax.dot_general(h.astype(jnp.bfloat16), W2,
                            (((1,), (0,)), ((), ())),
                            preferred_element_type=jnp.float32) + b2v
    for t in range(0, T, 2):
        out_ref[0, :, TD * t:TD * (t + 2)] = (
            xb[:, TD * t:TD * (t + 2)]
            + jnp.concatenate(
                [o[BLK * t:BLK * (t + 1)], o[BLK * (t + 1):BLK * (t + 2)]],
                axis=1))


@jax.jit
def kernel(x, ln_g, ln_b, Wq, bq, Wk, bk, W1, b1, W2, b2):
    g2 = ln_g.reshape(1, D)
    bt2 = ln_b.reshape(1, D)

    scores = pl.pallas_call(
        _stats_body,
        grid=(B, SB),
        in_specs=[
            pl.BlockSpec((1, BLK, D), lambda b_, s_: (b_, s_, 0)),
            pl.BlockSpec((1, D), lambda b_, s_: (0, 0)),
            pl.BlockSpec((1, D), lambda b_, s_: (0, 0)),
            pl.BlockSpec((TD, TD), lambda b_, s_: (0, 0)),
            pl.BlockSpec((1, TD), lambda b_, s_: (0, 0)),
            pl.BlockSpec((TD, TD), lambda b_, s_: (0, 0)),
            pl.BlockSpec((1, TD), lambda b_, s_: (0, 0)),
        ],
        out_specs=pl.BlockSpec((T, T), lambda b_, s_: (b_, 0)),
        out_shape=jax.ShapeDtypeStruct((_ROWS, T), jnp.float32),
        scratch_shapes=[pltpu.VMEM((1, D), jnp.float32)],
        compiler_params=pltpu.CompilerParams(
            dimension_semantics=("arbitrary", "arbitrary")),
    )(x, g2, bt2, Wq, bq.reshape(1, TD), Wk, bk.reshape(1, TD))

    ranked = _topk_sc(scores.reshape(-1))

    out = pl.pallas_call(
        _main_body,
        grid_spec=pltpu.PrefetchScalarGridSpec(
            num_scalar_prefetch=1,
            grid=(B, SB),
            in_specs=[
                pl.BlockSpec((1, BLK, D), lambda b_, s_, *_: (b_, s_, 0)),
                pl.BlockSpec((1, D), lambda b_, s_, *_: (0, 0)),
                pl.BlockSpec((1, D), lambda b_, s_, *_: (0, 0)),
                pl.BlockSpec((CTX, HID), lambda b_, s_, *_: (0, 0)),
                pl.BlockSpec((1, HID), lambda b_, s_, *_: (0, 0)),
                pl.BlockSpec((HID, TD), lambda b_, s_, *_: (0, 0)),
                pl.BlockSpec((1, TD), lambda b_, s_, *_: (0, 0)),
            ],
            out_specs=pl.BlockSpec((1, BLK, D), lambda b_, s_, *_: (b_, s_, 0)),
            scratch_shapes=[pltpu.VMEM((T, BLK, TD), jnp.bfloat16)],
        ),
        out_shape=jax.ShapeDtypeStruct((B, S, D), jnp.float32),
        compiler_params=pltpu.CompilerParams(
            dimension_semantics=("arbitrary", "arbitrary")),
    )(ranked, x, g2, bt2, W1.astype(jnp.bfloat16),
      b1.reshape(1, HID), W2.astype(jnp.bfloat16), b2.reshape(1, TD))

    return out

# --- scband reference (transcript-rebuilt; emitter-appended) ---
"""Pipeline reference for scband-wormhole-tessellation-expert-88493506167408 (READ-ONLY COPY).

The authoritative reference and input builder live on the scoring server;
editing this copy changes nothing except your own understanding.
"""

import jax, jax.numpy as jnp
import numpy as np

B, S, D = 4, 2048, 1024
T, K = 16, 4
TD = D // T
CTX = TD * (1 + K)
HID = TD * 2
TEMP = 0.5


def setup_inputs(seed: int = 0) -> dict:
    key = jax.random.key(seed)
    ks = jax.random.split(key, 10)

    def init(k, shape, fan_in):
        s = 1.0 / np.sqrt(fan_in)
        return jax.random.uniform(k, shape, jnp.float32, -s, s)

    return {
        "x": jax.random.normal(ks[0], (B, S, D), jnp.float32),
        "ln_g": jnp.ones((D,), jnp.float32),
        "ln_b": jnp.zeros((D,), jnp.float32),
        "Wq": init(ks[1], (TD, TD), TD),
        "bq": init(ks[2], (TD,), TD),
        "Wk": init(ks[3], (TD, TD), TD),
        "bk": init(ks[4], (TD,), TD),
        "W1": init(ks[5], (CTX, HID), CTX),
        "b1": init(ks[6], (HID,), CTX),
        "W2": init(ks[7], (HID, TD), HID),
        "b2": init(ks[8], (TD,), HID),
    }


def reference(x, ln_g, ln_b, Wq, bq, Wk, bk, W1, b1, W2, b2):
    # LayerNorm (biased variance, eps=1e-5)
    mu = jnp.mean(x, axis=-1, keepdims=True)
    var = jnp.var(x, axis=-1, keepdims=True)
    x_norm = (x - mu) / jnp.sqrt(var + 1e-5) * ln_g + ln_b

    x_tiles = x_norm.reshape(B, S, T, TD)
    # tile_drop = Identity (config=None -> no topo dropout; eval mode)

    tile_repr = jnp.mean(x_tiles, axis=1)  # [B, T, TD]

    def l2norm(v):
        n = jnp.linalg.norm(v, axis=-1, keepdims=True)
        return v / jnp.maximum(n, 1e-12)

    queries = l2norm(tile_repr @ Wq + bq)
    keys = l2norm(tile_repr @ Wk + bk)

    scores = jnp.einsum("btd,bud->btu", queries, keys)  # [B, T, T]
    eye = jnp.eye(T, dtype=bool)
    scores = jnp.where(eye[None, :, :], -1e9, scores)

    topk_scores, routes = jax.lax.top_k(scores / TEMP, K)  # routes: [B, T, K]
    weights = jax.nn.softmax(topk_scores, axis=-1)  # computed (unused in output path)

    # gather_tiles: gathered[b,s,t,k] = x_tiles[b,s,routes[b,t,k]]
    idx = jnp.broadcast_to(routes.reshape(B, 1, T * K, 1), (B, S, T * K, TD))
    gathered = jnp.take_along_axis(x_tiles, idx, axis=2)  # [B, S, T*K, TD]
    gathered_flat = gathered.reshape(B, S, T, K * TD)

    combined = jnp.concatenate([x_tiles, gathered_flat], axis=-1)  # [B,S,T,CTX]
    h = jax.nn.gelu(combined @ W1 + b1, approximate=False)
    out_tiles = h @ W2 + b2  # [B, S, T, TD]

    out = x + out_tiles.reshape(B, S, D)
    return out

if __name__ == "__main__":
    import jax
    _d = setup_inputs()
    print(jax.jit(kernel)(*tuple(_d.values())))

</pallas_src>

<mosaic_0001>
#map = affine_map<(d0, d1) -> (0)>
module attributes {stable_mosaic.version = 14 : i64} {
  func.func @_topk_sc_body(%arg0: i32, %arg1: i32, %arg2: memref<1024xf32, #tpu.memory_space<hbm>>, %arg3: memref<1024xi32, #tpu.memory_space<hbm>>, %arg4: memref<32xf32, #tpu.memory_space<vmem>>, %arg5: memref<32xi32, #tpu.memory_space<vmem>>) attributes {dimension_semantics = [#tpu.dimension_semantics<core_parallel>, #tpu.dimension_semantics<subcore_parallel>], iteration_bounds = array<i64: 2, 16>, scalar_prefetch = 0 : i64, scratch_operands = 2 : i64, tpu.core_type = #tpu.core_type<sc_vector_subcore>, window_params = [{transform_indices = #map}, {transform_indices = #map}]} {
    %mul3A = arith.constant 2 : i32
    %mul3A_0 = arith.muli %arg1, %mul3A : i32
    %add3A = arith.addi %mul3A_0, %arg0 : i32
    %mul3A_1 = arith.constant 32 : i32
    %mul3A_2 = arith.muli %add3A, %mul3A_1 : i32
    "tpu.region"() ({
      %run_scoped3A = tpu.sem_alloc : memref<!tpu.dma_semaphore, #tpu.memory_space<semaphore_mem>>
      %dma_start3A = tpu.memref_slice %arg2[%mul3A_2] : memref<1024xf32, #tpu.memory_space<hbm>> -> memref<32xf32, #tpu.memory_space<hbm>>
      %dma_start3A_8 = tpu.memref_slice %arg2[%mul3A_2] : memref<1024xf32, #tpu.memory_space<hbm>> -> memref<32xf32, #tpu.memory_space<hbm>>
      tpu.enqueue_dma source(%dma_start3A_8 : memref<32xf32, #tpu.memory_space<hbm>>) target(%arg4 : memref<32xf32, #tpu.memory_space<vmem>>) target_semaphore(%run_scoped3A : memref<!tpu.dma_semaphore, #tpu.memory_space<semaphore_mem>>)
      %dma_wait3A = tpu.memref_slice %arg2[%mul3A_2] : memref<1024xf32, #tpu.memory_space<hbm>> -> memref<32xf32, #tpu.memory_space<hbm>>
      %dma_wait3A_9 = tpu.memref_slice %arg2[%mul3A_2] : memref<1024xf32, #tpu.memory_space<hbm>> -> memref<32xf32, #tpu.memory_space<hbm>>
      tpu.wait_dma2 semaphore(%run_scoped3A : memref<!tpu.dma_semaphore, #tpu.memory_space<semaphore_mem>>) src(%dma_wait3A_9 : memref<32xf32, #tpu.memory_space<hbm>>) dst(%arg4 : memref<32xf32, #tpu.memory_space<vmem>>)
      tpu.yield
    }) : () -> ()
    %iota3A = tpu.iota {dimensions = array<i32: 0>} : vector<16xi32>
    %scan3A = arith.constant 0 : i32
    %scan3A_3 = arith.constant 0 : i32
    %scan3A_4 = arith.constant 2 : i32
    %scan3A_5 = arith.addi %scan3A_3, %scan3A_4 : i32
    %scan3A_6 = arith.constant 1 : i32
    scf.for %scan3A_8 = %scan3A_3 to %scan3A_5 step %scan3A_6  : i32 {
      %mul3A_9 = arith.constant 16 : i32
      %mul3A_10 = arith.muli %scan3A_8, %mul3A_9 : i32
      %get3A = arith.index_cast %mul3A_10 : i32 to index
      %get3A_11 = tpu.vector_load %arg4[%get3A] {strides = array<i32>} : memref<32xf32, #tpu.memory_space<vmem>>, vector<16xf32>,
      %masked_sort3A = arith.constant dense<true> : vector<16xi1>
      %masked_sort3A_12, %masked_sort3A_13, %masked_sort3A_14 = tpu.sort %get3A_11, %iota3A masked %masked_sort3A {descending = true} : (vector<16xf32>, vector<16xi32>, vector<16xi1>) -> (vector<16xi1>, vector<16xf32>, vector<16xi32>)
      %mul3A_15 = arith.constant 16 : i32
      %mul3A_16 = arith.muli %scan3A_8, %mul3A_15 : i32
      %swap3A = arith.index_cast %mul3A_16 : i32 to index
      %swap3A_17 = tpu.vector_load %arg5[%swap3A] {strides = array<i32>} : memref<32xi32, #tpu.memory_space<vmem>>, vector<16xi32>,
      tpu.vector_store %arg5[%swap3A], %masked_sort3A_14 {strides = array<i32>} : memref<32xi32, #tpu.memory_space<vmem>>, vector<16xi32>,
    }
    %scan3A_7 = arith.constant 2 : i32
    "tpu.region"() ({
      %run_scoped3A = tpu.sem_alloc : memref<!tpu.dma_semaphore, #tpu.memory_space<semaphore_mem>>
      %dma_start3A = tpu.memref_slice %arg3[%mul3A_2] : memref<1024xi32, #tpu.memory_space<hbm>> -> memref<32xi32, #tpu.memory_space<hbm>>
      %dma_start3A_8 = tpu.memref_slice %arg3[%mul3A_2] : memref<1024xi32, #tpu.memory_space<hbm>> -> memref<32xi32, #tpu.memory_space<hbm>>
      tpu.enqueue_dma source(%arg5 : memref<32xi32, #tpu.memory_space<vmem>>) target(%dma_start3A_8 : memref<32xi32, #tpu.memory_space<hbm>>) target_semaphore(%run_scoped3A : memref<!tpu.dma_semaphore, #tpu.memory_space<semaphore_mem>>)
      %dma_wait3A = tpu.memref_slice %arg3[%mul3A_2] : memref<1024xi32, #tpu.memory_space<hbm>> -> memref<32xi32, #tpu.memory_space<hbm>>
      %dma_wait3A_9 = tpu.memref_slice %arg3[%mul3A_2] : memref<1024xi32, #tpu.memory_space<hbm>> -> memref<32xi32, #tpu.memory_space<hbm>>
      tpu.wait_dma2 semaphore(%run_scoped3A : memref<!tpu.dma_semaphore, #tpu.memory_space<semaphore_mem>>) src(%arg5 : memref<32xi32, #tpu.memory_space<vmem>>) dst(%dma_wait3A_9 : memref<32xi32, #tpu.memory_space<hbm>>)
      tpu.yield
    }) : () -> ()
    return
  }
}

module attributes {stable_mosaic.version = 14 : i64} {
  func.func @_stats_body(%arg0: i32, %arg1: i32, %arg2: memref<1x1024x1024xf32, #tpu.memory_space<vmem>>, %arg3: memref<1x1024xf32, #tpu.memory_space<vmem>>, %arg4: memref<1x1024xf32, #tpu.memory_space<vmem>>, %arg5: memref<64x64xf32, #tpu.memory_space<vmem>>, %arg6: memref<1x64xf32, #tpu.memory_space<vmem>>, %arg7: memref<64x64xf32, #tpu.memory_space<vmem>>, %arg8: memref<1x64xf32, #tpu.memory_space<vmem>>, %arg9: memref<16x16xf32, #tpu.memory_space<vmem>>, %arg10: memref<1x1024xf32, #tpu.memory_space<vmem>>) attributes {dimension_semantics = [#tpu.dimension_semantics<arbitrary>, #tpu.dimension_semantics<arbitrary>], iteration_bounds = array<i64: 4, 2>, scalar_prefetch = 0 : i64, scratch_operands = 1 : i64, tpu.core_type = #tpu.core_type<tc>, window_params = [{transform_indices = @transform_0, window_bounds = array<i64: 1, 1024, 1024>}, {pipeline_mode = #tpu.pipeline_mode<synchronous>, transform_indices = @transform_1, window_bounds = array<i64: 1, 1024>}, {pipeline_mode = #tpu.pipeline_mode<synchronous>, transform_indices = @transform_2, window_bounds = array<i64: 1, 1024>}, {pipeline_mode = #tpu.pipeline_mode<synchronous>, transform_indices = @transform_3, window_bounds = array<i64: 64, 64>}, {pipeline_mode = #tpu.pipeline_mode<synchronous>, transform_indices = @transform_4, window_bounds = array<i64: 1, 64>}, {pipeline_mode = #tpu.pipeline_mode<synchronous>, transform_indices = @transform_5, window_bounds = array<i64: 64, 64>}, {pipeline_mode = #tpu.pipeline_mode<synchronous>, transform_indices = @transform_6, window_bounds = array<i64: 1, 64>}, {transform_indices = @transform_7, window_bounds = array<i64: 16, 16>}]} {
    %get3A = arith.constant 0 : index
    %get3A_0 = arith.constant 0 : index
    %get3A_1 = arith.constant 0 : index
    %get3A_2 = vector.load %arg2[%get3A, %get3A_0, %get3A_1] : memref<1x1024x1024xf32, #tpu.memory_space<vmem>>, vector<1x1024x1024xf32>
    %get3A_3 = vector.shape_cast %get3A_2 : vector<1x1024x1024xf32> to vector<1024x1024xf32>
    %get3A_4 = arith.constant 0 : index
    %get3A_5 = arith.constant 0 : index
    %get3A_6 = vector.load %arg3[%get3A_4, %get3A_5] : memref<1x1024xf32, #tpu.memory_space<vmem>>, vector<1x1024xf32>
    %get3A_7 = arith.constant 0 : index
    %get3A_8 = arith.constant 0 : index
    %get3A_9 = vector.load %arg4[%get3A_7, %get3A_8] : memref<1x1024xf32, #tpu.memory_space<vmem>>, vector<1x1024xf32>
    %reduce_sum3A = arith.constant dense<0.000000e+00> : vector<1024xf32>
    %reduce_sum3A_10 = vector.multi_reduction <add>, %get3A_3, %reduce_sum3A [1] : vector<1024x1024xf32> to vector<1024xf32>
    %broadcast_in_dim3A = vector.shape_cast %reduce_sum3A_10 : vector<1024xf32> to vector<1024x1xf32>
    %div3A = arith.constant 1.024000e+03 : f32
    %div3A_11 = vector.broadcast %div3A : f32 to vector<1024x1xf32>
    %div3A_12 = arith.divf %broadcast_in_dim3A, %div3A_11 : vector<1024x1xf32>
    %sub3A = vector.broadcast %div3A_12 : vector<1024x1xf32> to vector<1024x1024xf32>
    %sub3A_13 = arith.subf %get3A_3, %sub3A : vector<1024x1024xf32>
    %mul3A = arith.mulf %sub3A_13, %sub3A_13 : vector<1024x1024xf32>
    %reduce_sum3A_14 = arith.constant dense<0.000000e+00> : vector<1024xf32>
    %reduce_sum3A_15 = vector.multi_reduction <add>, %mul3A, %reduce_sum3A_14 [1] : vector<1024x1024xf32> to vector<1024xf32>
    %broadcast_in_dim3A_16 = vector.shape_cast %reduce_sum3A_15 : vector<1024xf32> to vector<1024x1xf32>
    %div3A_17 = arith.constant 1.024000e+03 : f32
    %div3A_18 = vector.broadcast %div3A_17 : f32 to vector<1024x1xf32>
    %div3A_19 = arith.divf %broadcast_in_dim3A_16, %div3A_18 : vector<1024x1xf32>
    %add3A = arith.constant 9.99999974E-6 : f32
    %add3A_20 = vector.broadcast %add3A : f32 to vector<1024x1xf32>
    %add3A_21 = arith.addf %div3A_19, %add3A_20 : vector<1024x1xf32>
    %rsqrt3A = math.rsqrt %add3A_21 : vector<1024x1xf32>
    %mul3A_22 = vector.broadcast %rsqrt3A : vector<1024x1xf32> to vector<1024x1024xf32>
    %mul3A_23 = arith.mulf %sub3A_13, %mul3A_22 : vector<1024x1024xf32>
    %mul3A_24 = vector.broadcast %get3A_6 : vector<1x1024xf32> to vector<1024x1024xf32>
    %mul3A_25 = arith.mulf %mul3A_23, %mul3A_24 : vector<1024x1024xf32>
    %add3A_26 = vector.broadcast %get3A_9 : vector<1x1024xf32> to vector<1024x1024xf32>
    %add3A_27 = arith.addf %mul3A_25, %add3A_26 : vector<1024x1024xf32>
    %reduce_sum3A_28 = arith.constant dense<0.000000e+00> : vector<1024xf32>
    %reduce_sum3A_29 = vector.multi_reduction <add>, %add3A_27, %reduce_sum3A_28 [0] : vector<1024x1024xf32> to vector<1024xf32>
    %broadcast_in_dim3A_30 = vector.shape_cast %reduce_sum3A_29 : vector<1024xf32> to vector<1x1024xf32>
    %eq3A = arith.constant 0 : i32
    %eq3A_31 = arith.cmpi eq, %arg1, %eq3A : i32
    %convert_element_type3A = arith.extui %eq3A_31 : i1 to i32
    %cond3A = arith.constant 0 : i32
    %cond3A_32 = arith.cmpi ne, %convert_element_type3A, %cond3A : i32
    scf.if %cond3A_32 {
      %swap3A = arith.constant 0 : index
      %swap3A_42 = arith.constant 0 : index
      %swap3A_43 = vector.load %arg10[%swap3A, %swap3A_42] : memref<1x1024xf32, #tpu.memory_space<vmem>>, vector<1x1024xf32>
      tpu.vector_store %arg10[%swap3A, %swap3A_42], %broadcast_in_dim3A_30 {strides = array<i32>} : memref<1x1024xf32, #tpu.memory_space<vmem>>, vector<1x1024xf32>,
    } else {
    }
    %ne3A = arith.constant 0 : i32
    %ne3A_33 = arith.cmpi ne, %arg1, %ne3A : i32
    %convert_element_type3A_34 = arith.extui %ne3A_33 : i1 to i32
    %cond3A_35 = arith.constant 0 : i32
    %cond3A_36 = arith.cmpi ne, %convert_element_type3A_34, %cond3A_35 : i32
    scf.if %cond3A_36 {
      %get3A_42 = arith.constant 0 : index
      %get3A_43 = arith.constant 0 : index
      %get3A_44 = vector.load %arg10[%get3A_42, %get3A_43] : memref<1x1024xf32, #tpu.memory_space<vmem>>, vector<1x1024xf32>
      %add3A_45 = arith.addf %get3A_44, %broadcast_in_dim3A_30 : vector<1x1024xf32>
      %swap3A = arith.constant 0 : index
      %swap3A_46 = arith.constant 0 : index
      %swap3A_47 = vector.load %arg10[%swap3A, %swap3A_46] : memref<1x1024xf32, #tpu.memory_space<vmem>>, vector<1x1024xf32>
      tpu.vector_store %arg10[%swap3A, %swap3A_46], %add3A_45 {strides = array<i32>} : memref<1x1024xf32, #tpu.memory_space<vmem>>, vector<1x1024xf32>,
    } else {
    }
    %eq3A_37 = arith.constant 1 : i32
    %eq3A_38 = arith.cmpi eq, %arg1, %eq3A_37 : i32
    %convert_element_type3A_39 = arith.extui %eq3A_38 : i1 to i32
    %cond3A_40 = arith.constant 0 : i32
    %cond3A_41 = arith.cmpi ne, %convert_element_type3A_39, %cond3A_40 : i32
    scf.if %cond3A_41 {
      %get3A_42 = arith.constant 0 : index
      %get3A_43 = arith.constant 0 : index
      %get3A_44 = vector.load %arg10[%get3A_42, %get3A_43] : memref<1x1024xf32, #tpu.memory_space<vmem>>, vector<1x1024xf32>
      %slice3A = vector.extract_strided_slice %get3A_44 {offsets = [0, 0], sizes = [1, 64], strides = [1, 1]} : vector<1x1024xf32> to vector<1x64xf32>
      %slice3A_45 = vector.extract_strided_slice %get3A_44 {offsets = [0, 64], sizes = [1, 64], strides = [1, 1]} : vector<1x1024xf32> to vector<1x64xf32>
      %slice3A_46 = vector.extract_strided_slice %get3A_44 {offsets = [0, 128], sizes = [1, 64], strides = [1, 1]} : vector<1x1024xf32> to vector<1x64xf32>
      %slice3A_47 = vector.extract_strided_slice %get3A_44 {offsets = [0, 192], sizes = [1, 64], strides = [1, 1]} : vector<1x1024xf32> to vector<1x64xf32>
      %slice3A_48 = vector.extract_strided_slice %get3A_44 {offsets = [0, 256], sizes = [1, 64], strides = [1, 1]} : vector<1x1024xf32> to vector<1x64xf32>
      %slice3A_49 = vector.extract_strided_slice %get3A_44 {offsets = [0, 320], sizes = [1, 64], strides = [1, 1]} : vector<1x1024xf32> to vector<1x64xf32>
      %slice3A_50 = vector.extract_strided_slice %get3A_44 {offsets = [0, 384], sizes = [1, 64], strides = [1, 1]} : vector<1x1024xf32> to vector<1x64xf32>
      %slice3A_51 = vector.extract_strided_slice %get3A_44 {offsets = [0, 448], sizes = [1, 64], strides = [1, 1]} : vector<1x1024xf32> to vector<1x64xf32>
      %slice3A_52 = vector.extract_strided_slice %get3A_44 {offsets = [0, 512], sizes = [1, 64], strides = [1, 1]} : vector<1x1024xf32> to vector<1x64xf32>
      %slice3A_53 = vector.extract_strided_slice %get3A_44 {offsets = [0, 576], sizes = [1, 64], strides = [1, 1]} : vector<1x1024xf32> to vector<1x64xf32>
      %slice3A_54 = vector.extract_strided_slice %get3A_44 {offsets = [0, 640], sizes = [1, 64], strides = [1, 1]} : vector<1x1024xf32> to vector<1x64xf32>
      %slice3A_55 = vector.extract_strided_slice %get3A_44 {offsets = [0, 704], sizes = [1, 64], strides = [1, 1]} : vector<1x1024xf32> to vector<1x64xf32>
      %slice3A_56 = vector.extract_strided_slice %get3A_44 {offsets = [0, 768], sizes = [1, 64], strides = [1, 1]} : vector<1x1024xf32> to vector<1x64xf32>
      %slice3A_57 = vector.extract_strided_slice %get3A_44 {offsets = [0, 832], sizes = [1, 64], strides = [1, 1]} : vector<1x1024xf32> to vector<1x64xf32>
      %slice3A_58 = vector.extract_strided_slice %get3A_44 {offsets = [0, 896], sizes = [1, 64], strides = [1, 1]} : vector<1x1024xf32> to vector<1x64xf32>
      %slice3A_59 = vector.extract_strided_slice %get3A_44 {offsets = [0, 960], sizes = [1, 64], strides = [1, 1]} : vector<1x1024xf32> to vector<1x64xf32>
      %concatenate3A = tpu.concatenate %slice3A, %slice3A_45, %slice3A_46, %slice3A_47, %slice3A_48, %slice3A_49, %slice3A_50, %slice3A_51, %slice3A_52, %slice3A_53, %slice3A_54, %slice3A_55, %slice3A_56, %slice3A_57, %slice3A_58, %slice3A_59 in 0 : vector<1x64xf32>, vector<1x64xf32>, vector<1x64xf32>, vector<1x64xf32>, vector<1x64xf32>, vector<1x64xf32>, vector<1x64xf32>, vector<1x64xf32>, vector<1x64xf32>, vector<1x64xf32>, vector<1x64xf32>, vector<1x64xf32>, vector<1x64xf32>, vector<1x64xf32>, vector<1x64xf32>, vector<1x64xf32> -> vector<16x64xf32>
      %mul3A_60 = arith.constant 4.8828125E-4 : f32
      %mul3A_61 = vector.broadcast %mul3A_60 : f32 to vector<16x64xf32>
      %mul3A_62 = arith.mulf %concatenate3A, %mul3A_61 : vector<16x64xf32>
      %get3A_63 = arith.constant 0 : index
      %get3A_64 = arith.constant 0 : index
      %get3A_65 = vector.load %arg5[%get3A_63, %get3A_64] : memref<64x64xf32, #tpu.memory_space<vmem>>, vector<64x64xf32>
      %dot_general3A = arith.constant dense<0.000000e+00> : vector<16x64xf32>
      %dot_general3A_66 = tpu.matmul %mul3A_62, %get3A_65, %dot_general3A {dimension_numbers = #tpu.dot_dimension_numbers<[1], [0], [0], [1], [0, 0, 1, 1], [], []>, transpose_lhs_hint = false} : vector<16x64xf32>, vector<64x64xf32>, vector<16x64xf32> -> vector<16x64xf32>
      %get3A_67 = arith.constant 0 : index
      %get3A_68 = arith.constant 0 : index
      %get3A_69 = vector.load %arg6[%get3A_67, %get3A_68] : memref<1x64xf32, #tpu.memory_space<vmem>>, vector<1x64xf32>
      %add3A_70 = vector.broadcast %get3A_69 : vector<1x64xf32> to vector<16x64xf32>
      %add3A_71 = arith.addf %dot_general3A_66, %add3A_70 : vector<16x64xf32>
      %mul3A_72 = arith.mulf %add3A_71, %add3A_71 : vector<16x64xf32>
      %reduce_sum3A_73 = arith.constant dense<0.000000e+00> : vector<16xf32>
      %reduce_sum3A_74 = vector.multi_reduction <add>, %mul3A_72, %reduce_sum3A_73 [1] : vector<16x64xf32> to vector<16xf32>
      %broadcast_in_dim3A_75 = vector.shape_cast %reduce_sum3A_74 : vector<16xf32> to vector<16x1xf32>
      %sqrt3A = math.sqrt %broadcast_in_dim3A_75 : vector<16x1xf32>
      %max3A = arith.constant 9.99999996E-13 : f32
      %max3A_76 = vector.broadcast %max3A : f32 to vector<16x1xf32>
      %max3A_77 = arith.maximumf %sqrt3A, %max3A_76 : vector<16x1xf32>
      %div3A_78 = vector.broadcast %max3A_77 : vector<16x1xf32> to vector<16x64xf32>
      %div3A_79 = arith.divf %add3A_71, %div3A_78 : vector<16x64xf32>
      %get3A_80 = arith.constant 0 : index
      %get3A_81 = arith.constant 0 : index
      %get3A_82 = vector.load %arg7[%get3A_80, %get3A_81] : memref<64x64xf32, #tpu.memory_space<vmem>>, vector<64x64xf32>
      %dot_general3A_83 = arith.constant dense<0.000000e+00> : vector<16x64xf32>
      %dot_general3A_84 = tpu.matmul %mul3A_62, %get3A_82, %dot_general3A_83 {dimension_numbers = #tpu.dot_dimension_numbers<[1], [0], [0], [1], [0, 0, 1, 1], [], []>, transpose_lhs_hint = false} : vector<16x64xf32>, vector<64x64xf32>, vector<16x64xf32> -> vector<16x64xf32>
      %get3A_85 = arith.constant 0 : index
      %get3A_86 = arith.constant 0 : index
      %get3A_87 = vector.load %arg8[%get3A_85, %get3A_86] : memref<1x64xf32, #tpu.memory_space<vmem>>, vector<1x64xf32>
      %add3A_88 = vector.broadcast %get3A_87 : vector<1x64xf32> to vector<16x64xf32>
      %add3A_89 = arith.addf %dot_general3A_84, %add3A_88 : vector<16x64xf32>
      %mul3A_90 = arith.mulf %add3A_89, %add3A_89 : vector<16x64xf32>
      %reduce_sum3A_91 = arith.constant dense<0.000000e+00> : vector<16xf32>
      %reduce_sum3A_92 = vector.multi_reduction <add>, %mul3A_90, %reduce_sum3A_91 [1] : vector<16x64xf32> to vector<16xf32>
      %broadcast_in_dim3A_93 = vector.shape_cast %reduce_sum3A_92 : vector<16xf32> to vector<16x1xf32>
      %sqrt3A_94 = math.sqrt %broadcast_in_dim3A_93 : vector<16x1xf32>
      %max3A_95 = arith.constant 9.99999996E-13 : f32
      %max3A_96 = vector.broadcast %max3A_95 : f32 to vector<16x1xf32>
      %max3A_97 = arith.maximumf %sqrt3A_94, %max3A_96 : vector<16x1xf32>
      %div3A_98 = vector.broadcast %max3A_97 : vector<16x1xf32> to vector<16x64xf32>
      %div3A_99 = arith.divf %add3A_89, %div3A_98 : vector<16x64xf32>
      %dot_general3A_100 = arith.constant dense<0.000000e+00> : vector<16x16xf32>
      %dot_general3A_101 = tpu.matmul %div3A_79, %div3A_99, %dot_general3A_100 {dimension_numbers = #tpu.dot_dimension_numbers<[1], [1], [0], [0], [0, 0, 1, 0], [], []>, transpose_lhs_hint = false} : vector<16x64xf32>, vector<16x64xf32>, vector<16x16xf32> -> vector<16x16xf32>
      %iota3A = tpu.iota {dimensions = array<i32: 0>} : vector<16x16xi32>
      %iota3A_102 = tpu.iota {dimensions = array<i32: 1>} : vector<16x16xi32>
      %eq3A_103 = arith.cmpi eq, %iota3A, %iota3A_102 : vector<16x16xi32>
      %jit3A = arith.constant -1.000000e+09 : f32
      %broadcast_in_dim3A_104 = vector.broadcast %jit3A : f32 to vector<16x16xf32>
      %select_n3A = arith.select %eq3A_103, %broadcast_in_dim3A_104, %dot_general3A_101 : vector<16x16xi1>, vector<16x16xf32>
      %swap3A = arith.constant 0 : index
      %swap3A_105 = arith.constant 0 : index
      %swap3A_106 = vector.load %arg9[%swap3A, %swap3A_105] : memref<16x16xf32, #tpu.memory_space<vmem>>, vector<16x16xf32>
      tpu.vector_store %arg9[%swap3A, %swap3A_105], %select_n3A {strides = array<i32>} : memref<16x16xf32, #tpu.memory_space<vmem>>, vector<16x16xf32>,
    } else {
    }
    return
  }
  func.func @transform_0(%arg0: i32, %arg1: i32) -> (i32, i32, i32) {
    %c0_i32 = arith.constant 0 : i32
    %c0_i32_0 = arith.constant 0 : i32
    return %arg0, %arg1, %c0_i32 : i32, i32, i32
  }
  func.func @transform_1(%arg0: i32, %arg1: i32) -> (i32, i32) {
    %c0_i32 = arith.constant 0 : i32
    %c0_i32_0 = arith.constant 0 : i32
    %c0_i32_1 = arith.constant 0 : i32
    return %c0_i32, %c0_i32_0 : i32, i32
  }
  func.func @transform_2(%arg0: i32, %arg1: i32) -> (i32, i32) {
    %c0_i32 = arith.constant 0 : i32
    %c0_i32_0 = arith.constant 0 : i32
    %c0_i32_1 = arith.constant 0 : i32
    return %c0_i32, %c0_i32_0 : i32, i32
  }
  func.func @transform_3(%arg0: i32, %arg1: i32) -> (i32, i32) {
    %c0_i32 = arith.constant 0 : i32
    %c0_i32_0 = arith.constant 0 : i32
    %c0_i32_1 = arith.constant 0 : i32
    return %c0_i32, %c0_i32_0 : i32, i32
  }
  func.func @transform_4(%arg0: i32, %arg1: i32) -> (i32, i32) {
    %c0_i32 = arith.constant 0 : i32
    %c0_i32_0 = arith.constant 0 : i32
    %c0_i32_1 = arith.constant 0 : i32
    return %c0_i32, %c0_i32_0 : i32, i32
  }
  func.func @transform_5(%arg0: i32, %arg1: i32) -> (i32, i32) {
    %c0_i32 = arith.constant 0 : i32
    %c0_i32_0 = arith.constant 0 : i32
    %c0_i32_1 = arith.constant 0 : i32
    return %c0_i32, %c0_i32_0 : i32, i32
  }
  func.func @transform_6(%arg0: i32, %arg1: i32) -> (i32, i32) {
    %c0_i32 = arith.constant 0 : i32
    %c0_i32_0 = arith.constant 0 : i32
    %c0_i32_1 = arith.constant 0 : i32
    return %c0_i32, %c0_i32_0 : i32, i32
  }
  func.func @transform_7(%arg0: i32, %arg1: i32) -> (i32, i32) {
    %c0_i32 = arith.constant 0 : i32
    %c0_i32_0 = arith.constant 0 : i32
    return %arg0, %c0_i32 : i32, i32
  }
}

module attributes {stable_mosaic.version = 14 : i64} {
  func.func @_main_body(%arg0: i32, %arg1: i32, %arg2: memref<1024xi32, #tpu.memory_space<smem>>, %arg3: memref<1x1024x1024xf32, #tpu.memory_space<vmem>>, %arg4: memref<1x1024xf32, #tpu.memory_space<vmem>>, %arg5: memref<1x1024xf32, #tpu.memory_space<vmem>>, %arg6: memref<320x128xbf16, #tpu.memory_space<vmem>>, %arg7: memref<1x128xf32, #tpu.memory_space<vmem>>, %arg8: memref<128x64xbf16, #tpu.memory_space<vmem>>, %arg9: memref<1x64xf32, #tpu.memory_space<vmem>>, %arg10: memref<1x1024x1024xf32, #tpu.memory_space<vmem>>, %arg11: memref<16x1024x64xbf16, #tpu.memory_space<vmem>>) attributes {dimension_semantics = [#tpu.dimension_semantics<arbitrary>, #tpu.dimension_semantics<arbitrary>], iteration_bounds = array<i64: 4, 2>, scalar_prefetch = 1 : i64, scratch_operands = 1 : i64, tpu.core_type = #tpu.core_type<tc>, window_params = [{transform_indices = @transform_0, window_bounds = array<i64: 1, 1024, 1024>}, {pipeline_mode = #tpu.pipeline_mode<synchronous>, transform_indices = @transform_1, window_bounds = array<i64: 1, 1024>}, {pipeline_mode = #tpu.pipeline_mode<synchronous>, transform_indices = @transform_2, window_bounds = array<i64: 1, 1024>}, {pipeline_mode = #tpu.pipeline_mode<synchronous>, transform_indices = @transform_3, window_bounds = array<i64: 320, 128>}, {pipeline_mode = #tpu.pipeline_mode<synchronous>, transform_indices = @transform_4, window_bounds = array<i64: 1, 128>}, {pipeline_mode = #tpu.pipeline_mode<synchronous>, transform_indices = @transform_5, window_bounds = array<i64: 128, 64>}, {pipeline_mode = #tpu.pipeline_mode<synchronous>, transform_indices = @transform_6, window_bounds = array<i64: 1, 64>}, {transform_indices = @transform_7, window_bounds = array<i64: 1, 1024, 1024>}]} {
    %get3A = arith.constant 0 : index
    %get3A_0 = arith.constant 0 : index
    %get3A_1 = arith.constant 0 : index
    %get3A_2 = vector.load %arg3[%get3A, %get3A_0, %get3A_1] : memref<1x1024x1024xf32, #tpu.memory_space<vmem>>, vector<1x1024x1024xf32>
    %get3A_3 = vector.shape_cast %get3A_2 : vector<1x1024x1024xf32> to vector<1024x1024xf32>
    %get3A_4 = arith.constant 0 : index
    %get3A_5 = arith.constant 0 : index
    %get3A_6 = vector.load %arg4[%get3A_4, %get3A_5] : memref<1x1024xf32, #tpu.memory_space<vmem>>, vector<1x1024xf32>
    %get3A_7 = arith.constant 0 : index
    %get3A_8 = arith.constant 0 : index
    %get3A_9 = vector.load %arg5[%get3A_7, %get3A_8] : memref<1x1024xf32, #tpu.memory_space<vmem>>, vector<1x1024xf32>
    %reduce_sum3A = arith.constant dense<0.000000e+00> : vector<1024xf32>
    %reduce_sum3A_10 = vector.multi_reduction <add>, %get3A_3, %reduce_sum3A [1] : vector<1024x1024xf32> to vector<1024xf32>
    %broadcast_in_dim3A = vector.shape_cast %reduce_sum3A_10 : vector<1024xf32> to vector<1024x1xf32>
    %div3A = arith.constant 1.024000e+03 : f32
    %div3A_11 = vector.broadcast %div3A : f32 to vector<1024x1xf32>
    %div3A_12 = arith.divf %broadcast_in_dim3A, %div3A_11 : vector<1024x1xf32>
    %sub3A = vector.broadcast %div3A_12 : vector<1024x1xf32> to vector<1024x1024xf32>
    %sub3A_13 = arith.subf %get3A_3, %sub3A : vector<1024x1024xf32>
    %mul3A = arith.mulf %sub3A_13, %sub3A_13 : vector<1024x1024xf32>
    %reduce_sum3A_14 = arith.constant dense<0.000000e+00> : vector<1024xf32>
    %reduce_sum3A_15 = vector.multi_reduction <add>, %mul3A, %reduce_sum3A_14 [1] : vector<1024x1024xf32> to vector<1024xf32>
    %broadcast_in_dim3A_16 = vector.shape_cast %reduce_sum3A_15 : vector<1024xf32> to vector<1024x1xf32>
    %div3A_17 = arith.constant 1.024000e+03 : f32
    %div3A_18 = vector.broadcast %div3A_17 : f32 to vector<1024x1xf32>
    %div3A_19 = arith.divf %broadcast_in_dim3A_16, %div3A_18 : vector<1024x1xf32>
    %add3A = arith.constant 9.99999974E-6 : f32
    %add3A_20 = vector.broadcast %add3A : f32 to vector<1024x1xf32>
    %add3A_21 = arith.addf %div3A_19, %add3A_20 : vector<1024x1xf32>
    %rsqrt3A = math.rsqrt %add3A_21 : vector<1024x1xf32>
    %mul3A_22 = vector.broadcast %rsqrt3A : vector<1024x1xf32> to vector<1024x1024xf32>
    %mul3A_23 = arith.mulf %sub3A_13, %mul3A_22 : vector<1024x1024xf32>
    %mul3A_24 = vector.broadcast %get3A_6 : vector<1x1024xf32> to vector<1024x1024xf32>
    %mul3A_25 = arith.mulf %mul3A_23, %mul3A_24 : vector<1024x1024xf32>
    %add3A_26 = vector.broadcast %get3A_9 : vector<1x1024xf32> to vector<1024x1024xf32>
    %add3A_27 = arith.addf %mul3A_25, %add3A_26 : vector<1024x1024xf32>
    %convert_element_type3A = arith.truncf %add3A_27 : vector<1024x1024xf32> to vector<1024x1024xbf16>
    %slice3A = vector.extract_strided_slice %convert_element_type3A {offsets = [0, 0], sizes = [1024, 64], strides = [1, 1]} : vector<1024x1024xbf16> to vector<1024x64xbf16>
    %swap3A = arith.constant 0 : index
    %swap3A_28 = arith.constant 0 : index
    %swap3A_29 = arith.constant 0 : index
    %swap3A_30 = vector.load %arg11[%swap3A, %swap3A_28, %swap3A_29] : memref<16x1024x64xbf16, #tpu.memory_space<vmem>>, vector<1x1024x64xbf16>
    %swap3A_31 = vector.shape_cast %swap3A_30 : vector<1x1024x64xbf16> to vector<1024x64xbf16>
    %swap3A_32 = vector.shape_cast %slice3A : vector<1024x64xbf16> to vector<1x1024x64xbf16>
    tpu.vector_store %arg11[%swap3A, %swap3A_28, %swap3A_29], %swap3A_32 {strides = array<i32>} : memref<16x1024x64xbf16, #tpu.memory_space<vmem>>, vector<1x1024x64xbf16>,
    %slice3A_33 = vector.extract_strided_slice %convert_element_type3A {offsets = [0, 64], sizes = [1024, 64], strides = [1, 1]} : vector<1024x1024xbf16> to vector<1024x64xbf16>
    %swap3A_34 = arith.constant 1 : index
    %swap3A_35 = arith.constant 0 : index
    %swap3A_36 = arith.constant 0 : index
    %swap3A_37 = vector.load %arg11[%swap3A_34, %swap3A_35, %swap3A_36] : memref<16x1024x64xbf16, #tpu.memory_space<vmem>>, vector<1x1024x64xbf16>
    %swap3A_38 = vector.shape_cast %swap3A_37 : vector<1x1024x64xbf16> to vector<1024x64xbf16>
    %swap3A_39 = vector.shape_cast %slice3A_33 : vector<1024x64xbf16> to vector<1x1024x64xbf16>
    tpu.vector_store %arg11[%swap3A_34, %swap3A_35, %swap3A_36], %swap3A_39 {strides = array<i32>} : memref<16x1024x64xbf16, #tpu.memory_space<vmem>>, vector<1x1024x64xbf16>,
    %slice3A_40 = vector.extract_strided_slice %convert_element_type3A {offsets = [0, 128], sizes = [1024, 64], strides = [1, 1]} : vector<1024x1024xbf16> to vector<1024x64xbf16>
    %swap3A_41 = arith.constant 2 : index
    %swap3A_42 = arith.constant 0 : index
    %swap3A_43 = arith.constant 0 : index
    %swap3A_44 = vector.load %arg11[%swap3A_41, %swap3A_42, %swap3A_43] : memref<16x1024x64xbf16, #tpu.memory_space<vmem>>, vector<1x1024x64xbf16>
    %swap3A_45 = vector.shape_cast %swap3A_44 : vector<1x1024x64xbf16> to vector<1024x64xbf16>
    %swap3A_46 = vector.shape_cast %slice3A_40 : vector<1024x64xbf16> to vector<1x1024x64xbf16>
    tpu.vector_store %arg11[%swap3A_41, %swap3A_42, %swap3A_43], %swap3A_46 {strides = array<i32>} : memref<16x1024x64xbf16, #tpu.memory_space<vmem>>, vector<1x1024x64xbf16>,
    %slice3A_47 = vector.extract_strided_slice %convert_element_type3A {offsets = [0, 192], sizes = [1024, 64], strides = [1, 1]} : vector<1024x1024xbf16> to vector<1024x64xbf16>
    %swap3A_48 = arith.constant 3 : index
    %swap3A_49 = arith.constant 0 : index
    %swap3A_50 = arith.constant 0 : index
    %swap3A_51 = vector.load %arg11[%swap3A_48, %swap3A_49, %swap3A_50] : memref<16x1024x64xbf16, #tpu.memory_space<vmem>>, vector<1x1024x64xbf16>
    %swap3A_52 = vector.shape_cast %swap3A_51 : vector<1x1024x64xbf16> to vector<1024x64xbf16>
    %swap3A_53 = vector.shape_cast %slice3A_47 : vector<1024x64xbf16> to vector<1x1024x64xbf16>
    tpu.vector_store %arg11[%swap3A_48, %swap3A_49, %swap3A_50], %swap3A_53 {strides = array<i32>} : memref<16x1024x64xbf16, #tpu.memory_space<vmem>>, vector<1x1024x64xbf16>,
    %slice3A_54 = vector.extract_strided_slice %convert_element_type3A {offsets = [0, 256], sizes = [1024, 64], strides = [1, 1]} : vector<1024x1024xbf16> to vector<1024x64xbf16>
    %swap3A_55 = arith.constant 4 : index
    %swap3A_56 = arith.constant 0 : index
    %swap3A_57 = arith.constant 0 : index
    %swap3A_58 = vector.load %arg11[%swap3A_55, %swap3A_56, %swap3A_57] : memref<16x1024x64xbf16, #tpu.memory_space<vmem>>, vector<1x1024x64xbf16>
    %swap3A_59 = vector.shape_cast %swap3A_58 : vector<1x1024x64xbf16> to vector<1024x64xbf16>
    %swap3A_60 = vector.shape_cast %slice3A_54 : vector<1024x64xbf16> to vector<1x1024x64xbf16>
    tpu.vector_store %arg11[%swap3A_55, %swap3A_56, %swap3A_57], %swap3A_60 {strides = array<i32>} : memref<16x1024x64xbf16, #tpu.memory_space<vmem>>, vector<1x1024x64xbf16>,
    %slice3A_61 = vector.extract_strided_slice %convert_element_type3A {offsets = [0, 320], sizes = [1024, 64], strides = [1, 1]} : vector<1024x1024xbf16> to vector<1024x64xbf16>
    %swap3A_62 = arith.constant 5 : index
    %swap3A_63 = arith.constant 0 : index
    %swap3A_64 = arith.constant 0 : index
    %swap3A_65 = vector.load %arg11[%swap3A_62, %swap3A_63, %swap3A_64] : memref<16x1024x64xbf16, #tpu.memory_space<vmem>>, vector<1x1024x64xbf16>
    %swap3A_66 = vector.shape_cast %swap3A_65 : vector<1x1024x64xbf16> to vector<1024x64xbf16>
    %swap3A_67 = vector.shape_cast %slice3A_61 : vector<1024x64xbf16> to vector<1x1024x64xbf16>
    tpu.vector_store %arg11[%swap3A_62, %swap3A_63, %swap3A_64], %swap3A_67 {strides = array<i32>} : memref<16x1024x64xbf16, #tpu.memory_space<vmem>>, vector<1x1024x64xbf16>,
    %slice3A_68 = vector.extract_strided_slice %convert_element_type3A {offsets = [0, 384], sizes = [1024, 64], strides = [1, 1]} : vector<1024x1024xbf16> to vector<1024x64xbf16>
    %swap3A_69 = arith.constant 6 : index
    %swap3A_70 = arith.constant 0 : index
    %swap3A_71 = arith.constant 0 : index
    %swap3A_72 = vector.load %arg11[%swap3A_69, %swap3A_70, %swap3A_71] : memref<16x1024x64xbf16, #tpu.memory_space<vmem>>, vector<1x1024x64xbf16>
    %swap3A_73 = vector.shape_cast %swap3A_72 : vector<1x1024x64xbf16> to vector<1024x64xbf16>
    %swap3A_74 = vector.shape_cast %slice3A_68 : vector<1024x64xbf16> to vector<1x1024x64xbf16>
    tpu.vector_store %arg11[%swap3A_69, %swap3A_70, %swap3A_71], %swap3A_74 {strides = array<i32>} : memref<16x1024x64xbf16, #tpu.memory_space<vmem>>, vector<1x1024x64xbf16>,
    %slice3A_75 = vector.extract_strided_slice %convert_element_type3A {offsets = [0, 448], sizes = [1024, 64], strides = [1, 1]} : vector<1024x1024xbf16> to vector<1024x64xbf16>
    %swap3A_76 = arith.constant 7 : index
    %swap3A_77 = arith.constant 0 : index
    %swap3A_78 = arith.constant 0 : index
    %swap3A_79 = vector.load %arg11[%swap3A_76, %swap3A_77, %swap3A_78] : memref<16x1024x64xbf16, #tpu.memory_space<vmem>>, vector<1x1024x64xbf16>
    %swap3A_80 = vector.shape_cast %swap3A_79 : vector<1x1024x64xbf16> to vector<1024x64xbf16>
    %swap3A_81 = vector.shape_cast %slice3A_75 : vector<1024x64xbf16> to vector<1x1024x64xbf16>
    tpu.vector_store %arg11[%swap3A_76, %swap3A_77, %swap3A_78], %swap3A_81 {strides = array<i32>} : memref<16x1024x64xbf16, #tpu.memory_space<vmem>>, vector<1x1024x64xbf16>,
    %slice3A_82 = vector.extract_strided_slice %convert_element_type3A {offsets = [0, 512], sizes = [1024, 64], strides = [1, 1]} : vector<1024x1024xbf16> to vector<1024x64xbf16>
    %swap3A_83 = arith.constant 8 : index
    %swap3A_84 = arith.constant 0 : index
    %swap3A_85 = arith.constant 0 : index
    %swap3A_86 = vector.load %arg11[%swap3A_83, %swap3A_84, %swap3A_85] : memref<16x1024x64xbf16, #tpu.memory_space<vmem>>, vector<1x1024x64xbf16>
    %swap3A_87 = vector.shape_cast %swap3A_86 : vector<1x1024x64xbf16> to vector<1024x64xbf16>
    %swap3A_88 = vector.shape_cast %slice3A_82 : vector<1024x64xbf16> to vector<1x1024x64xbf16>
    tpu.vector_store %arg11[%swap3A_83, %swap3A_84, %swap3A_85], %swap3A_88 {strides = array<i32>} : memref<16x1024x64xbf16, #tpu.memory_space<vmem>>, vector<1x1024x64xbf16>,
    %slice3A_89 = vector.extract_strided_slice %convert_element_type3A {offsets = [0, 576], sizes = [1024, 64], strides = [1, 1]} : vector<1024x1024xbf16> to vector<1024x64xbf16>
    %swap3A_90 = arith.constant 9 : index
    %swap3A_91 = arith.constant 0 : index
    %swap3A_92 = arith.constant 0 : index
    %swap3A_93 = vector.load %arg11[%swap3A_90, %swap3A_91, %swap3A_92] : memref<16x1024x64xbf16, #tpu.memory_space<vmem>>, vector<1x1024x64xbf16>
    %swap3A_94 = vector.shape_cast %swap3A_93 : vector<1x1024x64xbf16> to vector<1024x64xbf16>
    %swap3A_95 = vector.shape_cast %slice3A_89 : vector<1024x64xbf16> to vector<1x1024x64xbf16>
    tpu.vector_store %arg11[%swap3A_90, %swap3A_91, %swap3A_92], %swap3A_95 {strides = array<i32>} : memref<16x1024x64xbf16, #tpu.memory_space<vmem>>, vector<1x1024x64xbf16>,
    %slice3A_96 = vector.extract_strided_slice %convert_element_type3A {offsets = [0, 640], sizes = [1024, 64], strides = [1, 1]} : vector<1024x1024xbf16> to vector<1024x64xbf16>
    %swap3A_97 = arith.constant 10 : index
    %swap3A_98 = arith.constant 0 : index
    %swap3A_99 = arith.constant 0 : index
    %swap3A_100 = vector.load %arg11[%swap3A_97, %swap3A_98, %swap3A_99] : memref<16x1024x64xbf16, #tpu.memory_space<vmem>>, vector<1x1024x64xbf16>
    %swap3A_101 = vector.shape_cast %swap3A_100 : vector<1x1024x64xbf16> to vector<1024x64xbf16>
    %swap3A_102 = vector.shape_cast %slice3A_96 : vector<1024x64xbf16> to vector<1x1024x64xbf16>
    tpu.vector_store %arg11[%swap3A_97, %swap3A_98, %swap3A_99], %swap3A_102 {strides = array<i32>} : memref<16x1024x64xbf16, #tpu.memory_space<vmem>>, vector<1x1024x64xbf16>,
    %slice3A_103 = vector.extract_strided_slice %convert_element_type3A {offsets = [0, 704], sizes = [1024, 64], strides = [1, 1]} : vector<1024x1024xbf16> to vector<1024x64xbf16>
    %swap3A_104 = arith.constant 11 : index
    %swap3A_105 = arith.constant 0 : index
    %swap3A_106 = arith.constant 0 : index
    %swap3A_107 = vector.load %arg11[%swap3A_104, %swap3A_105, %swap3A_106] : memref<16x1024x64xbf16, #tpu.memory_space<vmem>>, vector<1x1024x64xbf16>
    %swap3A_108 = vector.shape_cast %swap3A_107 : vector<1x1024x64xbf16> to vector<1024x64xbf16>
    %swap3A_109 = vector.shape_cast %slice3A_103 : vector<1024x64xbf16> to vector<1x1024x64xbf16>
    tpu.vector_store %arg11[%swap3A_104, %swap3A_105, %swap3A_106], %swap3A_109 {strides = array<i32>} : memref<16x1024x64xbf16, #tpu.memory_space<vmem>>, vector<1x1024x64xbf16>,
    %slice3A_110 = vector.extract_strided_slice %convert_element_type3A {offsets = [0, 768], sizes = [1024, 64], strides = [1, 1]} : vector<1024x1024xbf16> to vector<1024x64xbf16>
    %swap3A_111 = arith.constant 12 : index
    %swap3A_112 = arith.constant 0 : index
    %swap3A_113 = arith.constant 0 : index
    %swap3A_114 = vector.load %arg11[%swap3A_111, %swap3A_112, %swap3A_113] : memref<16x1024x64xbf16, #tpu.memory_space<vmem>>, vector<1x1024x64xbf16>
    %swap3A_115 = vector.shape_cast %swap3A_114 : vector<1x1024x64xbf16> to vector<1024x64xbf16>
    %swap3A_116 = vector.shape_cast %slice3A_110 : vector<1024x64xbf16> to vector<1x1024x64xbf16>
    tpu.vector_store %arg11[%swap3A_111, %swap3A_112, %swap3A_113], %swap3A_116 {strides = array<i32>} : memref<16x1024x64xbf16, #tpu.memory_space<vmem>>, vector<1x1024x64xbf16>,
    %slice3A_117 = vector.extract_strided_slice %convert_element_type3A {offsets = [0, 832], sizes = [1024, 64], strides = [1, 1]} : vector<1024x1024xbf16> to vector<1024x64xbf16>
    %swap3A_118 = arith.constant 13 : index
    %swap3A_119 = arith.constant 0 : index
    %swap3A_120 = arith.constant 0 : index
    %swap3A_121 = vector.load %arg11[%swap3A_118, %swap3A_119, %swap3A_120] : memref<16x1024x64xbf16, #tpu.memory_space<vmem>>, vector<1x1024x64xbf16>
    %swap3A_122 = vector.shape_cast %swap3A_121 : vector<1x1024x64xbf16> to vector<1024x64xbf16>
    %swap3A_123 = vector.shape_cast %slice3A_117 : vector<1024x64xbf16> to vector<1x1024x64xbf16>
    tpu.vector_store %arg11[%swap3A_118, %swap3A_119, %swap3A_120], %swap3A_123 {strides = array<i32>} : memref<16x1024x64xbf16, #tpu.memory_space<vmem>>, vector<1x1024x64xbf16>,
    %slice3A_124 = vector.extract_strided_slice %convert_element_type3A {offsets = [0, 896], sizes = [1024, 64], strides = [1, 1]} : vector<1024x1024xbf16> to vector<1024x64xbf16>
    %swap3A_125 = arith.constant 14 : index
    %swap3A_126 = arith.constant 0 : index
    %swap3A_127 = arith.constant 0 : index
    %swap3A_128 = vector.load %arg11[%swap3A_125, %swap3A_126, %swap3A_127] : memref<16x1024x64xbf16, #tpu.memory_space<vmem>>, vector<1x1024x64xbf16>
    %swap3A_129 = vector.shape_cast %swap3A_128 : vector<1x1024x64xbf16> to vector<1024x64xbf16>
    %swap3A_130 = vector.shape_cast %slice3A_124 : vector<1024x64xbf16> to vector<1x1024x64xbf16>
    tpu.vector_store %arg11[%swap3A_125, %swap3A_126, %swap3A_127], %swap3A_130 {strides = array<i32>} : memref<16x1024x64xbf16, #tpu.memory_space<vmem>>, vector<1x1024x64xbf16>,
    %slice3A_131 = vector.extract_strided_slice %convert_element_type3A {offsets = [0, 960], sizes = [1024, 64], strides = [1, 1]} : vector<1024x1024xbf16> to vector<1024x64xbf16>
    %swap3A_132 = arith.constant 15 : index
    %swap3A_133 = arith.constant 0 : index
    %swap3A_134 = arith.constant 0 : index
    %swap3A_135 = vector.load %arg11[%swap3A_132, %swap3A_133, %swap3A_134] : memref<16x1024x64xbf16, #tpu.memory_space<vmem>>, vector<1x1024x64xbf16>
    %swap3A_136 = vector.shape_cast %swap3A_135 : vector<1x1024x64xbf16> to vector<1024x64xbf16>
    %swap3A_137 = vector.shape_cast %slice3A_131 : vector<1024x64xbf16> to vector<1x1024x64xbf16>
    tpu.vector_store %arg11[%swap3A_132, %swap3A_133, %swap3A_134], %swap3A_137 {strides = array<i32>} : memref<16x1024x64xbf16, #tpu.memory_space<vmem>>, vector<1x1024x64xbf16>,
    %get3A_138 = arith.constant 0 : index
    %get3A_139 = arith.constant 0 : index
    %get3A_140 = vector.load %arg6[%get3A_138, %get3A_139] : memref<320x128xbf16, #tpu.memory_space<vmem>>, vector<320x128xbf16>
    %get3A_141 = arith.constant 0 : index
    %get3A_142 = arith.constant 0 : index
    %get3A_143 = vector.load %arg8[%get3A_141, %get3A_142] : memref<128x64xbf16, #tpu.memory_space<vmem>>, vector<128x64xbf16>
    %get3A_144 = arith.constant 0 : index
    %get3A_145 = arith.constant 0 : index
    %get3A_146 = vector.load %arg7[%get3A_144, %get3A_145] : memref<1x128xf32, #tpu.memory_space<vmem>>, vector<1x128xf32>
    %get3A_147 = arith.constant 0 : index
    %get3A_148 = arith.constant 0 : index
    %get3A_149 = vector.load %arg9[%get3A_147, %get3A_148] : memref<1x64xf32, #tpu.memory_space<vmem>>, vector<1x64xf32>
    %mul3A_150 = arith.constant 16 : i32
    %mul3A_151 = arith.muli %arg0, %mul3A_150 : i32
    %add3A_152 = arith.constant 0 : i32
    %add3A_153 = arith.addi %mul3A_151, %add3A_152 : i32
    %mul3A_154 = arith.constant 16 : i32
    %mul3A_155 = arith.muli %add3A_153, %mul3A_154 : i32
    %get3A_156 = arith.constant 0 : index
    %get3A_157 = arith.constant 0 : index
    %get3A_158 = arith.constant 0 : index
    %get3A_159 = vector.load %arg11[%get3A_156, %get3A_157, %get3A_158] : memref<16x1024x64xbf16, #tpu.memory_space<vmem>>, vector<1x1024x64xbf16>
    %get3A_160 = vector.shape_cast %get3A_159 : vector<1x1024x64xbf16> to vector<1024x64xbf16>
    %add3A_161 = arith.constant 0 : i32
    %add3A_162 = arith.addi %mul3A_155, %add3A_161 : i32
    %get3A_163 = arith.index_cast %add3A_162 : i32 to index
    %get3A_164 = memref.load %arg2[%get3A_163] : memref<1024xi32, #tpu.memory_space<smem>>
    %get3A_165 = arith.index_cast %get3A_164 : i32 to index
    %get3A_166 = arith.constant 0 : index
    %get3A_167 = arith.constant 0 : index
    %get3A_168 = vector.load %arg11[%get3A_165, %get3A_166, %get3A_167] : memref<16x1024x64xbf16, #tpu.memory_space<vmem>>, vector<1x1024x64xbf16>
    %get3A_169 = vector.shape_cast %get3A_168 : vector<1x1024x64xbf16> to vector<1024x64xbf16>
    %add3A_170 = arith.constant 1 : i32
    %add3A_171 = arith.addi %mul3A_155, %add3A_170 : i32
    %get3A_172 = arith.index_cast %add3A_171 : i32 to index
    %get3A_173 = memref.load %arg2[%get3A_172] : memref<1024xi32, #tpu.memory_space<smem>>
    %get3A_174 = arith.index_cast %get3A_173 : i32 to index
    %get3A_175 = arith.constant 0 : index
    %get3A_176 = arith.constant 0 : index
    %get3A_177 = vector.load %arg11[%get3A_174, %get3A_175, %get3A_176] : memref<16x1024x64xbf16, #tpu.memory_space<vmem>>, vector<1x1024x64xbf16>
    %get3A_178 = vector.shape_cast %get3A_177 : vector<1x1024x64xbf16> to vector<1024x64xbf16>
    %add3A_179 = arith.constant 2 : i32
    %add3A_180 = arith.addi %mul3A_155, %add3A_179 : i32
    %get3A_181 = arith.index_cast %add3A_180 : i32 to index
    %get3A_182 = memref.load %arg2[%get3A_181] : memref<1024xi32, #tpu.memory_space<smem>>
    %get3A_183 = arith.index_cast %get3A_182 : i32 to index
    %get3A_184 = arith.constant 0 : index
    %get3A_185 = arith.constant 0 : index
    %get3A_186 = vector.load %arg11[%get3A_183, %get3A_184, %get3A_185] : memref<16x1024x64xbf16, #tpu.memory_space<vmem>>, vector<1x1024x64xbf16>
    %get3A_187 = vector.shape_cast %get3A_186 : vector<1x1024x64xbf16> to vector<1024x64xbf16>
    %add3A_188 = arith.constant 3 : i32
    %add3A_189 = arith.addi %mul3A_155, %add3A_188 : i32
    %get3A_190 = arith.index_cast %add3A_189 : i32 to index
    %get3A_191 = memref.load %arg2[%get3A_190] : memref<1024xi32, #tpu.memory_space<smem>>
    %get3A_192 = arith.index_cast %get3A_191 : i32 to index
    %get3A_193 = arith.constant 0 : index
    %get3A_194 = arith.constant 0 : index
    %get3A_195 = vector.load %arg11[%get3A_192, %get3A_193, %get3A_194] : memref<16x1024x64xbf16, #tpu.memory_space<vmem>>, vector<1x1024x64xbf16>
    %get3A_196 = vector.shape_cast %get3A_195 : vector<1x1024x64xbf16> to vector<1024x64xbf16>
    %concatenate3A = tpu.concatenate %get3A_160, %get3A_169, %get3A_178, %get3A_187, %get3A_196 in 1 : vector<1024x64xbf16>, vector<1024x64xbf16>, vector<1024x64xbf16>, vector<1024x64xbf16>, vector<1024x64xbf16> -> vector<1024x320xbf16>
    %mul3A_197 = arith.constant 16 : i32
    %mul3A_198 = arith.muli %arg0, %mul3A_197 : i32
    %add3A_199 = arith.constant 1 : i32
    %add3A_200 = arith.addi %mul3A_198, %add3A_199 : i32
    %mul3A_201 = arith.constant 16 : i32
    %mul3A_202 = arith.muli %add3A_200, %mul3A_201 : i32
    %get3A_203 = arith.constant 1 : index
    %get3A_204 = arith.constant 0 : index
    %get3A_205 = arith.constant 0 : index
    %get3A_206 = vector.load %arg11[%get3A_203, %get3A_204, %get3A_205] : memref<16x1024x64xbf16, #tpu.memory_space<vmem>>, vector<1x1024x64xbf16>
    %get3A_207 = vector.shape_cast %get3A_206 : vector<1x1024x64xbf16> to vector<1024x64xbf16>
    %add3A_208 = arith.constant 0 : i32
    %add3A_209 = arith.addi %mul3A_202, %add3A_208 : i32
    %get3A_210 = arith.index_cast %add3A_209 : i32 to index
    %get3A_211 = memref.load %arg2[%get3A_210] : memref<1024xi32, #tpu.memory_space<smem>>
    %get3A_212 = arith.index_cast %get3A_211 : i32 to index
    %get3A_213 = arith.constant 0 : index
    %get3A_214 = arith.constant 0 : index
    %get3A_215 = vector.load %arg11[%get3A_212, %get3A_213, %get3A_214] : memref<16x1024x64xbf16, #tpu.memory_space<vmem>>, vector<1x1024x64xbf16>
    %get3A_216 = vector.shape_cast %get3A_215 : vector<1x1024x64xbf16> to vector<1024x64xbf16>
    %add3A_217 = arith.constant 1 : i32
    %add3A_218 = arith.addi %mul3A_202, %add3A_217 : i32
    %get3A_219 = arith.index_cast %add3A_218 : i32 to index
    %get3A_220 = memref.load %arg2[%get3A_219] : memref<1024xi32, #tpu.memory_space<smem>>
    %get3A_221 = arith.index_cast %get3A_220 : i32 to index
    %get3A_222 = arith.constant 0 : index
    %get3A_223 = arith.constant 0 : index
    %get3A_224 = vector.load %arg11[%get3A_221, %get3A_222, %get3A_223] : memref<16x1024x64xbf16, #tpu.memory_space<vmem>>, vector<1x1024x64xbf16>
    %get3A_225 = vector.shape_cast %get3A_224 : vector<1x1024x64xbf16> to vector<1024x64xbf16>
    %add3A_226 = arith.constant 2 : i32
    %add3A_227 = arith.addi %mul3A_202, %add3A_226 : i32
    %get3A_228 = arith.index_cast %add3A_227 : i32 to index
    %get3A_229 = memref.load %arg2[%get3A_228] : memref<1024xi32, #tpu.memory_space<smem>>
    %get3A_230 = arith.index_cast %get3A_229 : i32 to index
    %get3A_231 = arith.constant 0 : index
    %get3A_232 = arith.constant 0 : index
    %get3A_233 = vector.load %arg11[%get3A_230, %get3A_231, %get3A_232] : memref<16x1024x64xbf16, #tpu.memory_space<vmem>>, vector<1x1024x64xbf16>
    %get3A_234 = vector.shape_cast %get3A_233 : vector<1x1024x64xbf16> to vector<1024x64xbf16>
    %add3A_235 = arith.constant 3 : i32
    %add3A_236 = arith.addi %mul3A_202, %add3A_235 : i32
    %get3A_237 = arith.index_cast %add3A_236 : i32 to index
    %get3A_238 = memref.load %arg2[%get3A_237] : memref<1024xi32, #tpu.memory_space<smem>>
    %get3A_239 = arith.index_cast %get3A_238 : i32 to index
    %get3A_240 = arith.constant 0 : index
    %get3A_241 = arith.constant 0 : index
    %get3A_242 = vector.load %arg11[%get3A_239, %get3A_240, %get3A_241] : memref<16x1024x64xbf16, #tpu.memory_space<vmem>>, vector<1x1024x64xbf16>
    %get3A_243 = vector.shape_cast %get3A_242 : vector<1x1024x64xbf16> to vector<1024x64xbf16>
    %concatenate3A_244 = tpu.concatenate %get3A_207, %get3A_216, %get3A_225, %get3A_234, %get3A_243 in 1 : vector<1024x64xbf16>, vector<1024x64xbf16>, vector<1024x64xbf16>, vector<1024x64xbf16>, vector<1024x64xbf16> -> vector<1024x320xbf16>
    %mul3A_245 = arith.constant 16 : i32
    %mul3A_246 = arith.muli %arg0, %mul3A_245 : i32
    %add3A_247 = arith.constant 2 : i32
    %add3A_248 = arith.addi %mul3A_246, %add3A_247 : i32
    %mul3A_249 = arith.constant 16 : i32
    %mul3A_250 = arith.muli %add3A_248, %mul3A_249 : i32
    %get3A_251 = arith.constant 2 : index
    %get3A_252 = arith.constant 0 : index
    %get3A_253 = arith.constant 0 : index
    %get3A_254 = vector.load %arg11[%get3A_251, %get3A_252, %get3A_253] : memref<16x1024x64xbf16, #tpu.memory_space<vmem>>, vector<1x1024x64xbf16>
    %get3A_255 = vector.shape_cast %get3A_254 : vector<1x1024x64xbf16> to vector<1024x64xbf16>
    %add3A_256 = arith.constant 0 : i32
    %add3A_257 = arith.addi %mul3A_250, %add3A_256 : i32
    %get3A_258 = arith.index_cast %add3A_257 : i32 to index
    %get3A_259 = memref.load %arg2[%get3A_258] : memref<1024xi32, #tpu.memory_space<smem>>
    %get3A_260 = arith.index_cast %get3A_259 : i32 to index
    %get3A_261 = arith.constant 0 : index
    %get3A_262 = arith.constant 0 : index
    %get3A_263 = vector.load %arg11[%get3A_260, %get3A_261, %get3A_262] : memref<16x1024x64xbf16, #tpu.memory_space<vmem>>, vector<1x1024x64xbf16>
    %get3A_264 = vector.shape_cast %get3A_263 : vector<1x1024x64xbf16> to vector<1024x64xbf16>
    %add3A_265 = arith.constant 1 : i32
    %add3A_266 = arith.addi %mul3A_250, %add3A_265 : i32
    %get3A_267 = arith.index_cast %add3A_266 : i32 to index
    %get3A_268 = memref.load %arg2[%get3A_267] : memref<1024xi32, #tpu.memory_space<smem>>
    %get3A_269 = arith.index_cast %get3A_268 : i32 to index
    %get3A_270 = arith.constant 0 : index
    %get3A_271 = arith.constant 0 : index
    %get3A_272 = vector.load %arg11[%get3A_269, %get3A_270, %get3A_271] : memref<16x1024x64xbf16, #tpu.memory_space<vmem>>, vector<1x1024x64xbf16>
    %get3A_273 = vector.shape_cast %get3A_272 : vector<1x1024x64xbf16> to vector<1024x64xbf16>
    %add3A_274 = arith.constant 2 : i32
    %add3A_275 = arith.addi %mul3A_250, %add3A_274 : i32
    %get3A_276 = arith.index_cast %add3A_275 : i32 to index
    %get3A_277 = memref.load %arg2[%get3A_276] : memref<1024xi32, #tpu.memory_space<smem>>
    %get3A_278 = arith.index_cast %get3A_277 : i32 to index
    %get3A_279 = arith.constant 0 : index
    %get3A_280 = arith.constant 0 : index
    %get3A_281 = vector.load %arg11[%get3A_278, %get3A_279, %get3A_280] : memref<16x1024x64xbf16, #tpu.memory_space<vmem>>, vector<1x1024x64xbf16>
    %get3A_282 = vector.shape_cast %get3A_281 : vector<1x1024x64xbf16> to vector<1024x64xbf16>
    %add3A_283 = arith.constant 3 : i32
    %add3A_284 = arith.addi %mul3A_250, %add3A_283 : i32
    %get3A_285 = arith.index_cast %add3A_284 : i32 to index
    %get3A_286 = memref.load %arg2[%get3A_285] : memref<1024xi32, #tpu.memory_space<smem>>
    %get3A_287 = arith.index_cast %get3A_286 : i32 to index
    %get3A_288 = arith.constant 0 : index
    %get3A_289 = arith.constant 0 : index
    %get3A_290 = vector.load %arg11[%get3A_287, %get3A_288, %get3A_289] : memref<16x1024x64xbf16, #tpu.memory_space<vmem>>, vector<1x1024x64xbf16>
    %get3A_291 = vector.shape_cast %get3A_290 : vector<1x1024x64xbf16> to vector<1024x64xbf16>
    %concatenate3A_292 = tpu.concatenate %get3A_255, %get3A_264, %get3A_273, %get3A_282, %get3A_291 in 1 : vector<1024x64xbf16>, vector<1024x64xbf16>, vector<1024x64xbf16>, vector<1024x64xbf16>, vector<1024x64xbf16> -> vector<1024x320xbf16>
    %mul3A_293 = arith.constant 16 : i32
    %mul3A_294 = arith.muli %arg0, %mul3A_293 : i32
    %add3A_295 = arith.constant 3 : i32
    %add3A_296 = arith.addi %mul3A_294, %add3A_295 : i32
    %mul3A_297 = arith.constant 16 : i32
    %mul3A_298 = arith.muli %add3A_296, %mul3A_297 : i32
    %get3A_299 = arith.constant 3 : index
    %get3A_300 = arith.constant 0 : index
    %get3A_301 = arith.constant 0 : index
    %get3A_302 = vector.load %arg11[%get3A_299, %get3A_300, %get3A_301] : memref<16x1024x64xbf16, #tpu.memory_space<vmem>>, vector<1x1024x64xbf16>
    %get3A_303 = vector.shape_cast %get3A_302 : vector<1x1024x64xbf16> to vector<1024x64xbf16>
    %add3A_304 = arith.constant 0 : i32
    %add3A_305 = arith.addi %mul3A_298, %add3A_304 : i32
    %get3A_306 = arith.index_cast %add3A_305 : i32 to index
    %get3A_307 = memref.load %arg2[%get3A_306] : memref<1024xi32, #tpu.memory_space<smem>>
    %get3A_308 = arith.index_cast %get3A_307 : i32 to index
    %get3A_309 = arith.constant 0 : index
    %get3A_310 = arith.constant 0 : index
    %get3A_311 = vector.load %arg11[%get3A_308, %get3A_309, %get3A_310] : memref<16x1024x64xbf16, #tpu.memory_space<vmem>>, vector<1x1024x64xbf16>
    %get3A_312 = vector.shape_cast %get3A_311 : vector<1x1024x64xbf16> to vector<1024x64xbf16>
    %add3A_313 = arith.constant 1 : i32
    %add3A_314 = arith.addi %mul3A_298, %add3A_313 : i32
    %get3A_315 = arith.index_cast %add3A_314 : i32 to index
    %get3A_316 = memref.load %arg2[%get3A_315] : memref<1024xi32, #tpu.memory_space<smem>>
    %get3A_317 = arith.index_cast %get3A_316 : i32 to index
    %get3A_318 = arith.constant 0 : index
    %get3A_319 = arith.constant 0 : index
    %get3A_320 = vector.load %arg11[%get3A_317, %get3A_318, %get3A_319] : memref<16x1024x64xbf16, #tpu.memory_space<vmem>>, vector<1x1024x64xbf16>
    %get3A_321 = vector.shape_cast %get3A_320 : vector<1x1024x64xbf16> to vector<1024x64xbf16>
    %add3A_322 = arith.constant 2 : i32
    %add3A_323 = arith.addi %mul3A_298, %add3A_322 : i32
    %get3A_324 = arith.index_cast %add3A_323 : i32 to index
    %get3A_325 = memref.load %arg2[%get3A_324] : memref<1024xi32, #tpu.memory_space<smem>>
    %get3A_326 = arith.index_cast %get3A_325 : i32 to index
    %get3A_327 = arith.constant 0 : index
    %get3A_328 = arith.constant 0 : index
    %get3A_329 = vector.load %arg11[%get3A_326, %get3A_327, %get3A_328] : memref<16x1024x64xbf16, #tpu.memory_space<vmem>>, vector<1x1024x64xbf16>
    %get3A_330 = vector.shape_cast %get3A_329 : vector<1x1024x64xbf16> to vector<1024x64xbf16>
    %add3A_331 = arith.constant 3 : i32
    %add3A_332 = arith.addi %mul3A_298, %add3A_331 : i32
    %get3A_333 = arith.index_cast %add3A_332 : i32 to index
    %get3A_334 = memref.load %arg2[%get3A_333] : memref<1024xi32, #tpu.memory_space<smem>>
    %get3A_335 = arith.index_cast %get3A_334 : i32 to index
    %get3A_336 = arith.constant 0 : index
    %get3A_337 = arith.constant 0 : index
    %get3A_338 = vector.load %arg11[%get3A_335, %get3A_336, %get3A_337] : memref<16x1024x64xbf16, #tpu.memory_space<vmem>>, vector<1x1024x64xbf16>
    %get3A_339 = vector.shape_cast %get3A_338 : vector<1x1024x64xbf16> to vector<1024x64xbf16>
    %concatenate3A_340 = tpu.concatenate %get3A_303, %get3A_312, %get3A_321, %get3A_330, %get3A_339 in 1 : vector<1024x64xbf16>, vector<1024x64xbf16>, vector<1024x64xbf16>, vector<1024x64xbf16>, vector<1024x64xbf16> -> vector<1024x320xbf16>
    %mul3A_341 = arith.constant 16 : i32
    %mul3A_342 = arith.muli %arg0, %mul3A_341 : i32
    %add3A_343 = arith.constant 4 : i32
    %add3A_344 = arith.addi %mul3A_342, %add3A_343 : i32
    %mul3A_345 = arith.constant 16 : i32
    %mul3A_346 = arith.muli %add3A_344, %mul3A_345 : i32
    %get3A_347 = arith.constant 4 : index
    %get3A_348 = arith.constant 0 : index
    %get3A_349 = arith.constant 0 : index
    %get3A_350 = vector.load %arg11[%get3A_347, %get3A_348, %get3A_349] : memref<16x1024x64xbf16, #tpu.memory_space<vmem>>, vector<1x1024x64xbf16>
    %get3A_351 = vector.shape_cast %get3A_350 : vector<1x1024x64xbf16> to vector<1024x64xbf16>
    %add3A_352 = arith.constant 0 : i32
    %add3A_353 = arith.addi %mul3A_346, %add3A_352 : i32
    %get3A_354 = arith.index_cast %add3A_353 : i32 to index
    %get3A_355 = memref.load %arg2[%get3A_354] : memref<1024xi32, #tpu.memory_space<smem>>
    %get3A_356 = arith.index_cast %get3A_355 : i32 to index
    %get3A_357 = arith.constant 0 : index
    %get3A_358 = arith.constant 0 : index
    %get3A_359 = vector.load %arg11[%get3A_356, %get3A_357, %get3A_358] : memref<16x1024x64xbf16, #tpu.memory_space<vmem>>, vector<1x1024x64xbf16>
    %get3A_360 = vector.shape_cast %get3A_359 : vector<1x1024x64xbf16> to vector<1024x64xbf16>
    %add3A_361 = arith.constant 1 : i32
    %add3A_362 = arith.addi %mul3A_346, %add3A_361 : i32
    %get3A_363 = arith.index_cast %add3A_362 : i32 to index
    %get3A_364 = memref.load %arg2[%get3A_363] : memref<1024xi32, #tpu.memory_space<smem>>
    %get3A_365 = arith.index_cast %get3A_364 : i32 to index
    %get3A_366 = arith.constant 0 : index
    %get3A_367 = arith.constant 0 : index
    %get3A_368 = vector.load %arg11[%get3A_365, %get3A_366, %get3A_367] : memref<16x1024x64xbf16, #tpu.memory_space<vmem>>, vector<1x1024x64xbf16>
    %get3A_369 = vector.shape_cast %get3A_368 : vector<1x1024x64xbf16> to vector<1024x64xbf16>
    %add3A_370 = arith.constant 2 : i32
    %add3A_371 = arith.addi %mul3A_346, %add3A_370 : i32
    %get3A_372 = arith.index_cast %add3A_371 : i32 to index
    %get3A_373 = memref.load %arg2[%get3A_372] : memref<1024xi32, #tpu.memory_space<smem>>
    %get3A_374 = arith.index_cast %get3A_373 : i32 to index
    %get3A_375 = arith.constant 0 : index
    %get3A_376 = arith.constant 0 : index
    %get3A_377 = vector.load %arg11[%get3A_374, %get3A_375, %get3A_376] : memref<16x1024x64xbf16, #tpu.memory_space<vmem>>, vector<1x1024x64xbf16>
    %get3A_378 = vector.shape_cast %get3A_377 : vector<1x1024x64xbf16> to vector<1024x64xbf16>
    %add3A_379 = arith.constant 3 : i32
    %add3A_380 = arith.addi %mul3A_346, %add3A_379 : i32
    %get3A_381 = arith.index_cast %add3A_380 : i32 to index
    %get3A_382 = memref.load %arg2[%get3A_381] : memref<1024xi32, #tpu.memory_space<smem>>
    %get3A_383 = arith.index_cast %get3A_382 : i32 to index
    %get3A_384 = arith.constant 0 : index
    %get3A_385 = arith.constant 0 : index
    %get3A_386 = vector.load %arg11[%get3A_383, %get3A_384, %get3A_385] : memref<16x1024x64xbf16, #tpu.memory_space<vmem>>, vector<1x1024x64xbf16>
    %get3A_387 = vector.shape_cast %get3A_386 : vector<1x1024x64xbf16> to vector<1024x64xbf16>
    %concatenate3A_388 = tpu.concatenate %get3A_351, %get3A_360, %get3A_369, %get3A_378, %get3A_387 in 1 : vector<1024x64xbf16>, vector<1024x64xbf16>, vector<1024x64xbf16>, vector<1024x64xbf16>, vector<1024x64xbf16> -> vector<1024x320xbf16>
    %mul3A_389 = arith.constant 16 : i32
    %mul3A_390 = arith.muli %arg0, %mul3A_389 : i32
    %add3A_391 = arith.constant 5 : i32
    %add3A_392 = arith.addi %mul3A_390, %add3A_391 : i32
    %mul3A_393 = arith.constant 16 : i32
    %mul3A_394 = arith.muli %add3A_392, %mul3A_393 : i32
    %get3A_395 = arith.constant 5 : index
    %get3A_396 = arith.constant 0 : index
    %get3A_397 = arith.constant 0 : index
    %get3A_398 = vector.load %arg11[%get3A_395, %get3A_396, %get3A_397] : memref<16x1024x64xbf16, #tpu.memory_space<vmem>>, vector<1x1024x64xbf16>
    %get3A_399 = vector.shape_cast %get3A_398 : vector<1x1024x64xbf16> to vector<1024x64xbf16>
    %add3A_400 = arith.constant 0 : i32
    %add3A_401 = arith.addi %mul3A_394, %add3A_400 : i32
    %get3A_402 = arith.index_cast %add3A_401 : i32 to index
    %get3A_403 = memref.load %arg2[%get3A_402] : memref<1024xi32, #tpu.memory_space<smem>>
    %get3A_404 = arith.index_cast %get3A_403 : i32 to index
    %get3A_405 = arith.constant 0 : index
    %get3A_406 = arith.constant 0 : index
    %get3A_407 = vector.load %arg11[%get3A_404, %get3A_405, %get3A_406] : memref<16x1024x64xbf16, #tpu.memory_space<vmem>>, vector<1x1024x64xbf16>
    %get3A_408 = vector.shape_cast %get3A_407 : vector<1x1024x64xbf16> to vector<1024x64xbf16>
    %add3A_409 = arith.constant 1 : i32
    %add3A_410 = arith.addi %mul3A_394, %add3A_409 : i32
    %get3A_411 = arith.index_cast %add3A_410 : i32 to index
    %get3A_412 = memref.load %arg2[%get3A_411] : memref<1024xi32, #tpu.memory_space<smem>>
    %get3A_413 = arith.index_cast %get3A_412 : i32 to index
    %get3A_414 = arith.constant 0 : index
    %get3A_415 = arith.constant 0 : index
    %get3A_416 = vector.load %arg11[%get3A_413, %get3A_414, %get3A_415] : memref<16x1024x64xbf16, #tpu.memory_space<vmem>>, vector<1x1024x64xbf16>
    %get3A_417 = vector.shape_cast %get3A_416 : vector<1x1024x64xbf16> to vector<1024x64xbf16>
    %add3A_418 = arith.constant 2 : i32
    %add3A_419 = arith.addi %mul3A_394, %add3A_418 : i32
    %get3A_420 = arith.index_cast %add3A_419 : i32 to index
    %get3A_421 = memref.load %arg2[%get3A_420] : memref<1024xi32, #tpu.memory_space<smem>>
    %get3A_422 = arith.index_cast %get3A_421 : i32 to index
    %get3A_423 = arith.constant 0 : index
    %get3A_424 = arith.constant 0 : index
    %get3A_425 = vector.load %arg11[%get3A_422, %get3A_423, %get3A_424] : memref<16x1024x64xbf16, #tpu.memory_space<vmem>>, vector<1x1024x64xbf16>
    %get3A_426 = vector.shape_cast %get3A_425 : vector<1x1024x64xbf16> to vector<1024x64xbf16>
    %add3A_427 = arith.constant 3 : i32
    %add3A_428 = arith.addi %mul3A_394, %add3A_427 : i32
    %get3A_429 = arith.index_cast %add3A_428 : i32 to index
    %get3A_430 = memref.load %arg2[%get3A_429] : memref<1024xi32, #tpu.memory_space<smem>>
    %get3A_431 = arith.index_cast %get3A_430 : i32 to index
    %get3A_432 = arith.constant 0 : index
    %get3A_433 = arith.constant 0 : index
    %get3A_434 = vector.load %arg11[%get3A_431, %get3A_432, %get3A_433] : memref<16x1024x64xbf16, #tpu.memory_space<vmem>>, vector<1x1024x64xbf16>
    %get3A_435 = vector.shape_cast %get3A_434 : vector<1x1024x64xbf16> to vector<1024x64xbf16>
    %concatenate3A_436 = tpu.concatenate %get3A_399, %get3A_408, %get3A_417, %get3A_426, %get3A_435 in 1 : vector<1024x64xbf16>, vector<1024x64xbf16>, vector<1024x64xbf16>, vector<1024x64xbf16>, vector<1024x64xbf16> -> vector<1024x320xbf16>
    %mul3A_437 = arith.constant 16 : i32
    %mul3A_438 = arith.muli %arg0, %mul3A_437 : i32
    %add3A_439 = arith.constant 6 : i32
    %add3A_440 = arith.addi %mul3A_438, %add3A_439 : i32
    %mul3A_441 = arith.constant 16 : i32
    %mul3A_442 = arith.muli %add3A_440, %mul3A_441 : i32
    %get3A_443 = arith.constant 6 : index
    %get3A_444 = arith.constant 0 : index
    %get3A_445 = arith.constant 0 : index
    %get3A_446 = vector.load %arg11[%get3A_443, %get3A_444, %get3A_445] : memref<16x1024x64xbf16, #tpu.memory_space<vmem>>, vector<1x1024x64xbf16>
    %get3A_447 = vector.shape_cast %get3A_446 : vector<1x1024x64xbf16> to vector<1024x64xbf16>
    %add3A_448 = arith.constant 0 : i32
    %add3A_449 = arith.addi %mul3A_442, %add3A_448 : i32
    %get3A_450 = arith.index_cast %add3A_449 : i32 to index
    %get3A_451 = memref.load %arg2[%get3A_450] : memref<1024xi32, #tpu.memory_space<smem>>
    %get3A_452 = arith.index_cast %get3A_451 : i32 to index
    %get3A_453 = arith.constant 0 : index
    %get3A_454 = arith.constant 0 : index
    %get3A_455 = vector.load %arg11[%get3A_452, %get3A_453, %get3A_454] : memref<16x1024x64xbf16, #tpu.memory_space<vmem>>, vector<1x1024x64xbf16>
    %get3A_456 = vector.shape_cast %get3A_455 : vector<1x1024x64xbf16> to vector<1024x64xbf16>
    %add3A_457 = arith.constant 1 : i32
    %add3A_458 = arith.addi %mul3A_442, %add3A_457 : i32
    %get3A_459 = arith.index_cast %add3A_458 : i32 to index
    %get3A_460 = memref.load %arg2[%get3A_459] : memref<1024xi32, #tpu.memory_space<smem>>
    %get3A_461 = arith.index_cast %get3A_460 : i32 to index
    %get3A_462 = arith.constant 0 : index
    %get3A_463 = arith.constant 0 : index
    %get3A_464 = vector.load %arg11[%get3A_461, %get3A_462, %get3A_463] : memref<16x1024x64xbf16, #tpu.memory_space<vmem>>, vector<1x1024x64xbf16>
    %get3A_465 = vector.shape_cast %get3A_464 : vector<1x1024x64xbf16> to vector<1024x64xbf16>
    %add3A_466 = arith.constant 2 : i32
    %add3A_467 = arith.addi %mul3A_442, %add3A_466 : i32
    %get3A_468 = arith.index_cast %add3A_467 : i32 to index
    %get3A_469 = memref.load %arg2[%get3A_468] : memref<1024xi32, #tpu.memory_space<smem>>
    %get3A_470 = arith.index_cast %get3A_469 : i32 to index
    %get3A_471 = arith.constant 0 : index
    %get3A_472 = arith.constant 0 : index
    %get3A_473 = vector.load %arg11[%get3A_470, %get3A_471, %get3A_472] : memref<16x1024x64xbf16, #tpu.memory_space<vmem>>, vector<1x1024x64xbf16>
    %get3A_474 = vector.shape_cast %get3A_473 : vector<1x1024x64xbf16> to vector<1024x64xbf16>
    %add3A_475 = arith.constant 3 : i32
    %add3A_476 = arith.addi %mul3A_442, %add3A_475 : i32
    %get3A_477 = arith.index_cast %add3A_476 : i32 to index
    %get3A_478 = memref.load %arg2[%get3A_477] : memref<1024xi32, #tpu.memory_space<smem>>
    %get3A_479 = arith.index_cast %get3A_478 : i32 to index
    %get3A_480 = arith.constant 0 : index
    %get3A_481 = arith.constant 0 : index
    %get3A_482 = vector.load %arg11[%get3A_479, %get3A_480, %get3A_481] : memref<16x1024x64xbf16, #tpu.memory_space<vmem>>, vector<1x1024x64xbf16>
    %get3A_483 = vector.shape_cast %get3A_482 : vector<1x1024x64xbf16> to vector<1024x64xbf16>
    %concatenate3A_484 = tpu.concatenate %get3A_447, %get3A_456, %get3A_465, %get3A_474, %get3A_483 in 1 : vector<1024x64xbf16>, vector<1024x64xbf16>, vector<1024x64xbf16>, vector<1024x64xbf16>, vector<1024x64xbf16> -> vector<1024x320xbf16>
    %mul3A_485 = arith.constant 16 : i32
    %mul3A_486 = arith.muli %arg0, %mul3A_485 : i32
    %add3A_487 = arith.constant 7 : i32
    %add3A_488 = arith.addi %mul3A_486, %add3A_487 : i32
    %mul3A_489 = arith.constant 16 : i32
    %mul3A_490 = arith.muli %add3A_488, %mul3A_489 : i32
    %get3A_491 = arith.constant 7 : index
    %get3A_492 = arith.constant 0 : index
    %get3A_493 = arith.constant 0 : index
    %get3A_494 = vector.load %arg11[%get3A_491, %get3A_492, %get3A_493] : memref<16x1024x64xbf16, #tpu.memory_space<vmem>>, vector<1x1024x64xbf16>
    %get3A_495 = vector.shape_cast %get3A_494 : vector<1x1024x64xbf16> to vector<1024x64xbf16>
    %add3A_496 = arith.constant 0 : i32
    %add3A_497 = arith.addi %mul3A_490, %add3A_496 : i32
    %get3A_498 = arith.index_cast %add3A_497 : i32 to index
    %get3A_499 = memref.load %arg2[%get3A_498] : memref<1024xi32, #tpu.memory_space<smem>>
    %get3A_500 = arith.index_cast %get3A_499 : i32 to index
    %get3A_501 = arith.constant 0 : index
    %get3A_502 = arith.constant 0 : index
    %get3A_503 = vector.load %arg11[%get3A_500, %get3A_501, %get3A_502] : memref<16x1024x64xbf16, #tpu.memory_space<vmem>>, vector<1x1024x64xbf16>
    %get3A_504 = vector.shape_cast %get3A_503 : vector<1x1024x64xbf16> to vector<1024x64xbf16>
    %add3A_505 = arith.constant 1 : i32
    %add3A_506 = arith.addi %mul3A_490, %add3A_505 : i32
    %get3A_507 = arith.index_cast %add3A_506 : i32 to index
    %get3A_508 = memref.load %arg2[%get3A_507] : memref<1024xi32, #tpu.memory_space<smem>>
    %get3A_509 = arith.index_cast %get3A_508 : i32 to index
    %get3A_510 = arith.constant 0 : index
    %get3A_511 = arith.constant 0 : index
    %get3A_512 = vector.load %arg11[%get3A_509, %get3A_510, %get3A_511] : memref<16x1024x64xbf16, #tpu.memory_space<vmem>>, vector<1x1024x64xbf16>
    %get3A_513 = vector.shape_cast %get3A_512 : vector<1x1024x64xbf16> to vector<1024x64xbf16>
    %add3A_514 = arith.constant 2 : i32
    %add3A_515 = arith.addi %mul3A_490, %add3A_514 : i32
    %get3A_516 = arith.index_cast %add3A_515 : i32 to index
    %get3A_517 = memref.load %arg2[%get3A_516] : memref<1024xi32, #tpu.memory_space<smem>>
    %get3A_518 = arith.index_cast %get3A_517 : i32 to index
    %get3A_519 = arith.constant 0 : index
    %get3A_520 = arith.constant 0 : index
    %get3A_521 = vector.load %arg11[%get3A_518, %get3A_519, %get3A_520] : memref<16x1024x64xbf16, #tpu.memory_space<vmem>>, vector<1x1024x64xbf16>
    %get3A_522 = vector.shape_cast %get3A_521 : vector<1x1024x64xbf16> to vector<1024x64xbf16>
    %add3A_523 = arith.constant 3 : i32
    %add3A_524 = arith.addi %mul3A_490, %add3A_523 : i32
    %get3A_525 = arith.index_cast %add3A_524 : i32 to index
    %get3A_526 = memref.load %arg2[%get3A_525] : memref<1024xi32, #tpu.memory_space<smem>>
    %get3A_527 = arith.index_cast %get3A_526 : i32 to index
    %get3A_528 = arith.constant 0 : index
    %get3A_529 = arith.constant 0 : index
    %get3A_530 = vector.load %arg11[%get3A_527, %get3A_528, %get3A_529] : memref<16x1024x64xbf16, #tpu.memory_space<vmem>>, vector<1x1024x64xbf16>
    %get3A_531 = vector.shape_cast %get3A_530 : vector<1x1024x64xbf16> to vector<1024x64xbf16>
    %concatenate3A_532 = tpu.concatenate %get3A_495, %get3A_504, %get3A_513, %get3A_522, %get3A_531 in 1 : vector<1024x64xbf16>, vector<1024x64xbf16>, vector<1024x64xbf16>, vector<1024x64xbf16>, vector<1024x64xbf16> -> vector<1024x320xbf16>
    %mul3A_533 = arith.constant 16 : i32
    %mul3A_534 = arith.muli %arg0, %mul3A_533 : i32
    %add3A_535 = arith.constant 8 : i32
    %add3A_536 = arith.addi %mul3A_534, %add3A_535 : i32
    %mul3A_537 = arith.constant 16 : i32
    %mul3A_538 = arith.muli %add3A_536, %mul3A_537 : i32
    %get3A_539 = arith.constant 8 : index
    %get3A_540 = arith.constant 0 : index
    %get3A_541 = arith.constant 0 : index
    %get3A_542 = vector.load %arg11[%get3A_539, %get3A_540, %get3A_541] : memref<16x1024x64xbf16, #tpu.memory_space<vmem>>, vector<1x1024x64xbf16>
    %get3A_543 = vector.shape_cast %get3A_542 : vector<1x1024x64xbf16> to vector<1024x64xbf16>
    %add3A_544 = arith.constant 0 : i32
    %add3A_545 = arith.addi %mul3A_538, %add3A_544 : i32
    %get3A_546 = arith.index_cast %add3A_545 : i32 to index
    %get3A_547 = memref.load %arg2[%get3A_546] : memref<1024xi32, #tpu.memory_space<smem>>
    %get3A_548 = arith.index_cast %get3A_547 : i32 to index
    %get3A_549 = arith.constant 0 : index
    %get3A_550 = arith.constant 0 : index
    %get3A_551 = vector.load %arg11[%get3A_548, %get3A_549, %get3A_550] : memref<16x1024x64xbf16, #tpu.memory_space<vmem>>, vector<1x1024x64xbf16>
    %get3A_552 = vector.shape_cast %get3A_551 : vector<1x1024x64xbf16> to vector<1024x64xbf16>
    %add3A_553 = arith.constant 1 : i32
    %add3A_554 = arith.addi %mul3A_538, %add3A_553 : i32
    %get3A_555 = arith.index_cast %add3A_554 : i32 to index
    %get3A_556 = memref.load %arg2[%get3A_555] : memref<1024xi32, #tpu.memory_space<smem>>
    %get3A_557 = arith.index_cast %get3A_556 : i32 to index
    %get3A_558 = arith.constant 0 : index
    %get3A_559 = arith.constant 0 : index
    %get3A_560 = vector.load %arg11[%get3A_557, %get3A_558, %get3A_559] : memref<16x1024x64xbf16, #tpu.memory_space<vmem>>, vector<1x1024x64xbf16>
    %get3A_561 = vector.shape_cast %get3A_560 : vector<1x1024x64xbf16> to vector<1024x64xbf16>
    %add3A_562 = arith.constant 2 : i32
    %add3A_563 = arith.addi %mul3A_538, %add3A_562 : i32
    %get3A_564 = arith.index_cast %add3A_563 : i32 to index
    %get3A_565 = memref.load %arg2[%get3A_564] : memref<1024xi32, #tpu.memory_space<smem>>
    %get3A_566 = arith.index_cast %get3A_565 : i32 to index
    %get3A_567 = arith.constant 0 : index
    %get3A_568 = arith.constant 0 : index
    %get3A_569 = vector.load %arg11[%get3A_566, %get3A_567, %get3A_568] : memref<16x1024x64xbf16, #tpu.memory_space<vmem>>, vector<1x1024x64xbf16>
    %get3A_570 = vector.shape_cast %get3A_569 : vector<1x1024x64xbf16> to vector<1024x64xbf16>
    %add3A_571 = arith.constant 3 : i32
    %add3A_572 = arith.addi %mul3A_538, %add3A_571 : i32
    %get3A_573 = arith.index_cast %add3A_572 : i32 to index
    %get3A_574 = memref.load %arg2[%get3A_573] : memref<1024xi32, #tpu.memory_space<smem>>
    %get3A_575 = arith.index_cast %get3A_574 : i32 to index
    %get3A_576 = arith.constant 0 : index
    %get3A_577 = arith.constant 0 : index
    %get3A_578 = vector.load %arg11[%get3A_575, %get3A_576, %get3A_577] : memref<16x1024x64xbf16, #tpu.memory_space<vmem>>, vector<1x1024x64xbf16>
    %get3A_579 = vector.shape_cast %get3A_578 : vector<1x1024x64xbf16> to vector<1024x64xbf16>
    %concatenate3A_580 = tpu.concatenate %get3A_543, %get3A_552, %get3A_561, %get3A_570, %get3A_579 in 1 : vector<1024x64xbf16>, vector<1024x64xbf16>, vector<1024x64xbf16>, vector<1024x64xbf16>, vector<1024x64xbf16> -> vector<1024x320xbf16>
    %mul3A_581 = arith.constant 16 : i32
    %mul3A_582 = arith.muli %arg0, %mul3A_581 : i32
    %add3A_583 = arith.constant 9 : i32
    %add3A_584 = arith.addi %mul3A_582, %add3A_583 : i32
    %mul3A_585 = arith.constant 16 : i32
    %mul3A_586 = arith.muli %add3A_584, %mul3A_585 : i32
    %get3A_587 = arith.constant 9 : index
    %get3A_588 = arith.constant 0 : index
    %get3A_589 = arith.constant 0 : index
    %get3A_590 = vector.load %arg11[%get3A_587, %get3A_588, %get3A_589] : memref<16x1024x64xbf16, #tpu.memory_space<vmem>>, vector<1x1024x64xbf16>
    %get3A_591 = vector.shape_cast %get3A_590 : vector<1x1024x64xbf16> to vector<1024x64xbf16>
    %add3A_592 = arith.constant 0 : i32
    %add3A_593 = arith.addi %mul3A_586, %add3A_592 : i32
    %get3A_594 = arith.index_cast %add3A_593 : i32 to index
    %get3A_595 = memref.load %arg2[%get3A_594] : memref<1024xi32, #tpu.memory_space<smem>>
    %get3A_596 = arith.index_cast %get3A_595 : i32 to index
    %get3A_597 = arith.constant 0 : index
    %get3A_598 = arith.constant 0 : index
    %get3A_599 = vector.load %arg11[%get3A_596, %get3A_597, %get3A_598] : memref<16x1024x64xbf16, #tpu.memory_space<vmem>>, vector<1x1024x64xbf16>
    %get3A_600 = vector.shape_cast %get3A_599 : vector<1x1024x64xbf16> to vector<1024x64xbf16>
    %add3A_601 = arith.constant 1 : i32
    %add3A_602 = arith.addi %mul3A_586, %add3A_601 : i32
    %get3A_603 = arith.index_cast %add3A_602 : i32 to index
    %get3A_604 = memref.load %arg2[%get3A_603] : memref<1024xi32, #tpu.memory_space<smem>>
    %get3A_605 = arith.index_cast %get3A_604 : i32 to index
    %get3A_606 = arith.constant 0 : index
    %get3A_607 = arith.constant 0 : index
    %get3A_608 = vector.load %arg11[%get3A_605, %get3A_606, %get3A_607] : memref<16x1024x64xbf16, #tpu.memory_space<vmem>>, vector<1x1024x64xbf16>
    %get3A_609 = vector.shape_cast %get3A_608 : vector<1x1024x64xbf16> to vector<1024x64xbf16>
    %add3A_610 = arith.constant 2 : i32
    %add3A_611 = arith.addi %mul3A_586, %add3A_610 : i32
    %get3A_612 = arith.index_cast %add3A_611 : i32 to index
    %get3A_613 = memref.load %arg2[%get3A_612] : memref<1024xi32, #tpu.memory_space<smem>>
    %get3A_614 = arith.index_cast %get3A_613 : i32 to index
    %get3A_615 = arith.constant 0 : index
    %get3A_616 = arith.constant 0 : index
    %get3A_617 = vector.load %arg11[%get3A_614, %get3A_615, %get3A_616] : memref<16x1024x64xbf16, #tpu.memory_space<vmem>>, vector<1x1024x64xbf16>
    %get3A_618 = vector.shape_cast %get3A_617 : vector<1x1024x64xbf16> to vector<1024x64xbf16>
    %add3A_619 = arith.constant 3 : i32
    %add3A_620 = arith.addi %mul3A_586, %add3A_619 : i32
    %get3A_621 = arith.index_cast %add3A_620 : i32 to index
    %get3A_622 = memref.load %arg2[%get3A_621] : memref<1024xi32, #tpu.memory_space<smem>>
    %get3A_623 = arith.index_cast %get3A_622 : i32 to index
    %get3A_624 = arith.constant 0 : index
    %get3A_625 = arith.constant 0 : index
    %get3A_626 = vector.load %arg11[%get3A_623, %get3A_624, %get3A_625] : memref<16x1024x64xbf16, #tpu.memory_space<vmem>>, vector<1x1024x64xbf16>
    %get3A_627 = vector.shape_cast %get3A_626 : vector<1x1024x64xbf16> to vector<1024x64xbf16>
    %concatenate3A_628 = tpu.concatenate %get3A_591, %get3A_600, %get3A_609, %get3A_618, %get3A_627 in 1 : vector<1024x64xbf16>, vector<1024x64xbf16>, vector<1024x64xbf16>, vector<1024x64xbf16>, vector<1024x64xbf16> -> vector<1024x320xbf16>
    %mul3A_629 = arith.constant 16 : i32
    %mul3A_630 = arith.muli %arg0, %mul3A_629 : i32
    %add3A_631 = arith.constant 10 : i32
    %add3A_632 = arith.addi %mul3A_630, %add3A_631 : i32
    %mul3A_633 = arith.constant 16 : i32
    %mul3A_634 = arith.muli %add3A_632, %mul3A_633 : i32
    %get3A_635 = arith.constant 10 : index
    %get3A_636 = arith.constant 0 : index
    %get3A_637 = arith.constant 0 : index
    %get3A_638 = vector.load %arg11[%get3A_635, %get3A_636, %get3A_637] : memref<16x1024x64xbf16, #tpu.memory_space<vmem>>, vector<1x1024x64xbf16>
    %get3A_639 = vector.shape_cast %get3A_638 : vector<1x1024x64xbf16> to vector<1024x64xbf16>
    %add3A_640 = arith.constant 0 : i32
    %add3A_641 = arith.addi %mul3A_634, %add3A_640 : i32
    %get3A_642 = arith.index_cast %add3A_641 : i32 to index
    %get3A_643 = memref.load %arg2[%get3A_642] : memref<1024xi32, #tpu.memory_space<smem>>
    %get3A_644 = arith.index_cast %get3A_643 : i32 to index
    %get3A_645 = arith.constant 0 : index
    %get3A_646 = arith.constant 0 : index
    %get3A_647 = vector.load %arg11[%get3A_644, %get3A_645, %get3A_646] : memref<16x1024x64xbf16, #tpu.memory_space<vmem>>, vector<1x1024x64xbf16>
    %get3A_648 = vector.shape_cast %get3A_647 : vector<1x1024x64xbf16> to vector<1024x64xbf16>
    %add3A_649 = arith.constant 1 : i32
    %add3A_650 = arith.addi %mul3A_634, %add3A_649 : i32
    %get3A_651 = arith.index_cast %add3A_650 : i32 to index
    %get3A_652 = memref.load %arg2[%get3A_651] : memref<1024xi32, #tpu.memory_space<smem>>
    %get3A_653 = arith.index_cast %get3A_652 : i32 to index
    %get3A_654 = arith.constant 0 : index
    %get3A_655 = arith.constant 0 : index
    %get3A_656 = vector.load %arg11[%get3A_653, %get3A_654, %get3A_655] : memref<16x1024x64xbf16, #tpu.memory_space<vmem>>, vector<1x1024x64xbf16>
    %get3A_657 = vector.shape_cast %get3A_656 : vector<1x1024x64xbf16> to vector<1024x64xbf16>
    %add3A_658 = arith.constant 2 : i32
    %add3A_659 = arith.addi %mul3A_634, %add3A_658 : i32
    %get3A_660 = arith.index_cast %add3A_659 : i32 to index
    %get3A_661 = memref.load %arg2[%get3A_660] : memref<1024xi32, #tpu.memory_space<smem>>
    %get3A_662 = arith.index_cast %get3A_661 : i32 to index
    %get3A_663 = arith.constant 0 : index
    %get3A_664 = arith.constant 0 : index
    %get3A_665 = vector.load %arg11[%get3A_662, %get3A_663, %get3A_664] : memref<16x1024x64xbf16, #tpu.memory_space<vmem>>, vector<1x1024x64xbf16>
    %get3A_666 = vector.shape_cast %get3A_665 : vector<1x1024x64xbf16> to vector<1024x64xbf16>
    %add3A_667 = arith.constant 3 : i32
    %add3A_668 = arith.addi %mul3A_634, %add3A_667 : i32
    %get3A_669 = arith.index_cast %add3A_668 : i32 to index
    %get3A_670 = memref.load %arg2[%get3A_669] : memref<1024xi32, #tpu.memory_space<smem>>
    %get3A_671 = arith.index_cast %get3A_670 : i32 to index
    %get3A_672 = arith.constant 0 : index
    %get3A_673 = arith.constant 0 : index
    %get3A_674 = vector.load %arg11[%get3A_671, %get3A_672, %get3A_673] : memref<16x1024x64xbf16, #tpu.memory_space<vmem>>, vector<1x1024x64xbf16>
    %get3A_675 = vector.shape_cast %get3A_674 : vector<1x1024x64xbf16> to vector<1024x64xbf16>
    %concatenate3A_676 = tpu.concatenate %get3A_639, %get3A_648, %get3A_657, %get3A_666, %get3A_675 in 1 : vector<1024x64xbf16>, vector<1024x64xbf16>, vector<1024x64xbf16>, vector<1024x64xbf16>, vector<1024x64xbf16> -> vector<1024x320xbf16>
    %mul3A_677 = arith.constant 16 : i32
    %mul3A_678 = arith.muli %arg0, %mul3A_677 : i32
    %add3A_679 = arith.constant 11 : i32
    %add3A_680 = arith.addi %mul3A_678, %add3A_679 : i32
    %mul3A_681 = arith.constant 16 : i32
    %mul3A_682 = arith.muli %add3A_680, %mul3A_681 : i32
    %get3A_683 = arith.constant 11 : index
    %get3A_684 = arith.constant 0 : index
    %get3A_685 = arith.constant 0 : index
    %get3A_686 = vector.load %arg11[%get3A_683, %get3A_684, %get3A_685] : memref<16x1024x64xbf16, #tpu.memory_space<vmem>>, vector<1x1024x64xbf16>
    %get3A_687 = vector.shape_cast %get3A_686 : vector<1x1024x64xbf16> to vector<1024x64xbf16>
    %add3A_688 = arith.constant 0 : i32
    %add3A_689 = arith.addi %mul3A_682, %add3A_688 : i32
    %get3A_690 = arith.index_cast %add3A_689 : i32 to index
    %get3A_691 = memref.load %arg2[%get3A_690] : memref<1024xi32, #tpu.memory_space<smem>>
    %get3A_692 = arith.index_cast %get3A_691 : i32 to index
    %get3A_693 = arith.constant 0 : index
    %get3A_694 = arith.constant 0 : index
    %get3A_695 = vector.load %arg11[%get3A_692, %get3A_693, %get3A_694] : memref<16x1024x64xbf16, #tpu.memory_space<vmem>>, vector<1x1024x64xbf16>
    %get3A_696 = vector.shape_cast %get3A_695 : vector<1x1024x64xbf16> to vector<1024x64xbf16>
    %add3A_697 = arith.constant 1 : i32
    %add3A_698 = arith.addi %mul3A_682, %add3A_697 : i32
    %get3A_699 = arith.index_cast %add3A_698 : i32 to index
    %get3A_700 = memref.load %arg2[%get3A_699] : memref<1024xi32, #tpu.memory_space<smem>>
    %get3A_701 = arith.index_cast %get3A_700 : i32 to index
    %get3A_702 = arith.constant 0 : index
    %get3A_703 = arith.constant 0 : index
    %get3A_704 = vector.load %arg11[%get3A_701, %get3A_702, %get3A_703] : memref<16x1024x64xbf16, #tpu.memory_space<vmem>>, vector<1x1024x64xbf16>
    %get3A_705 = vector.shape_cast %get3A_704 : vector<1x1024x64xbf16> to vector<1024x64xbf16>
    %add3A_706 = arith.constant 2 : i32
    %add3A_707 = arith.addi %mul3A_682, %add3A_706 : i32
    %get3A_708 = arith.index_cast %add3A_707 : i32 to index
    %get3A_709 = memref.load %arg2[%get3A_708] : memref<1024xi32, #tpu.memory_space<smem>>
    %get3A_710 = arith.index_cast %get3A_709 : i32 to index
    %get3A_711 = arith.constant 0 : index
    %get3A_712 = arith.constant 0 : index
    %get3A_713 = vector.load %arg11[%get3A_710, %get3A_711, %get3A_712] : memref<16x1024x64xbf16, #tpu.memory_space<vmem>>, vector<1x1024x64xbf16>
    %get3A_714 = vector.shape_cast %get3A_713 : vector<1x1024x64xbf16> to vector<1024x64xbf16>
    %add3A_715 = arith.constant 3 : i32
    %add3A_716 = arith.addi %mul3A_682, %add3A_715 : i32
    %get3A_717 = arith.index_cast %add3A_716 : i32 to index
    %get3A_718 = memref.load %arg2[%get3A_717] : memref<1024xi32, #tpu.memory_space<smem>>
    %get3A_719 = arith.index_cast %get3A_718 : i32 to index
    %get3A_720 = arith.constant 0 : index
    %get3A_721 = arith.constant 0 : index
    %get3A_722 = vector.load %arg11[%get3A_719, %get3A_720, %get3A_721] : memref<16x1024x64xbf16, #tpu.memory_space<vmem>>, vector<1x1024x64xbf16>
    %get3A_723 = vector.shape_cast %get3A_722 : vector<1x1024x64xbf16> to vector<1024x64xbf16>
    %concatenate3A_724 = tpu.concatenate %get3A_687, %get3A_696, %get3A_705, %get3A_714, %get3A_723 in 1 : vector<1024x64xbf16>, vector<1024x64xbf16>, vector<1024x64xbf16>, vector<1024x64xbf16>, vector<1024x64xbf16> -> vector<1024x320xbf16>
    %mul3A_725 = arith.constant 16 : i32
    %mul3A_726 = arith.muli %arg0, %mul3A_725 : i32
    %add3A_727 = arith.constant 12 : i32
    %add3A_728 = arith.addi %mul3A_726, %add3A_727 : i32
    %mul3A_729 = arith.constant 16 : i32
    %mul3A_730 = arith.muli %add3A_728, %mul3A_729 : i32
    %get3A_731 = arith.constant 12 : index
    %get3A_732 = arith.constant 0 : index
    %get3A_733 = arith.constant 0 : index
    %get3A_734 = vector.load %arg11[%get3A_731, %get3A_732, %get3A_733] : memref<16x1024x64xbf16, #tpu.memory_space<vmem>>, vector<1x1024x64xbf16>
    %get3A_735 = vector.shape_cast %get3A_734 : vector<1x1024x64xbf16> to vector<1024x64xbf16>
    %add3A_736 = arith.constant 0 : i32
    %add3A_737 = arith.addi %mul3A_730, %add3A_736 : i32
    %get3A_738 = arith.index_cast %add3A_737 : i32 to index
    %get3A_739 = memref.load %arg2[%get3A_738] : memref<1024xi32, #tpu.memory_space<smem>>
    %get3A_740 = arith.index_cast %get3A_739 : i32 to index
    %get3A_741 = arith.constant 0 : index
    %get3A_742 = arith.constant 0 : index
    %get3A_743 = vector.load %arg11[%get3A_740, %get3A_741, %get3A_742] : memref<16x1024x64xbf16, #tpu.memory_space<vmem>>, vector<1x1024x64xbf16>
    %get3A_744 = vector.shape_cast %get3A_743 : vector<1x1024x64xbf16> to vector<1024x64xbf16>
    %add3A_745 = arith.constant 1 : i32
    %add3A_746 = arith.addi %mul3A_730, %add3A_745 : i32
    %get3A_747 = arith.index_cast %add3A_746 : i32 to index
    %get3A_748 = memref.load %arg2[%get3A_747] : memref<1024xi32, #tpu.memory_space<smem>>
    %get3A_749 = arith.index_cast %get3A_748 : i32 to index
    %get3A_750 = arith.constant 0 : index
    %get3A_751 = arith.constant 0 : index
    %get3A_752 = vector.load %arg11[%get3A_749, %get3A_750, %get3A_751] : memref<16x1024x64xbf16, #tpu.memory_space<vmem>>, vector<1x1024x64xbf16>
    %get3A_753 = vector.shape_cast %get3A_752 : vector<1x1024x64xbf16> to vector<1024x64xbf16>
    %add3A_754 = arith.constant 2 : i32
    %add3A_755 = arith.addi %mul3A_730, %add3A_754 : i32
    %get3A_756 = arith.index_cast %add3A_755 : i32 to index
    %get3A_757 = memref.load %arg2[%get3A_756] : memref<1024xi32, #tpu.memory_space<smem>>
    %get3A_758 = arith.index_cast %get3A_757 : i32 to index
    %get3A_759 = arith.constant 0 : index
    %get3A_760 = arith.constant 0 : index
    %get3A_761 = vector.load %arg11[%get3A_758, %get3A_759, %get3A_760] : memref<16x1024x64xbf16, #tpu.memory_space<vmem>>, vector<1x1024x64xbf16>
    %get3A_762 = vector.shape_cast %get3A_761 : vector<1x1024x64xbf16> to vector<1024x64xbf16>
    %add3A_763 = arith.constant 3 : i32
    %add3A_764 = arith.addi %mul3A_730, %add3A_763 : i32
    %get3A_765 = arith.index_cast %add3A_764 : i32 to index
    %get3A_766 = memref.load %arg2[%get3A_765] : memref<1024xi32, #tpu.memory_space<smem>>
    %get3A_767 = arith.index_cast %get3A_766 : i32 to index
    %get3A_768 = arith.constant 0 : index
    %get3A_769 = arith.constant 0 : index
    %get3A_770 = vector.load %arg11[%get3A_767, %get3A_768, %get3A_769] : memref<16x1024x64xbf16, #tpu.memory_space<vmem>>, vector<1x1024x64xbf16>
    %get3A_771 = vector.shape_cast %get3A_770 : vector<1x1024x64xbf16> to vector<1024x64xbf16>
    %concatenate3A_772 = tpu.concatenate %get3A_735, %get3A_744, %get3A_753, %get3A_762, %get3A_771 in 1 : vector<1024x64xbf16>, vector<1024x64xbf16>, vector<1024x64xbf16>, vector<1024x64xbf16>, vector<1024x64xbf16> -> vector<1024x320xbf16>
    %mul3A_773 = arith.constant 16 : i32
    %mul3A_774 = arith.muli %arg0, %mul3A_773 : i32
    %add3A_775 = arith.constant 13 : i32
    %add3A_776 = arith.addi %mul3A_774, %add3A_775 : i32
    %mul3A_777 = arith.constant 16 : i32
    %mul3A_778 = arith.muli %add3A_776, %mul3A_777 : i32
    %get3A_779 = arith.constant 13 : index
    %get3A_780 = arith.constant 0 : index
    %get3A_781 = arith.constant 0 : index
    %get3A_782 = vector.load %arg11[%get3A_779, %get3A_780, %get3A_781] : memref<16x1024x64xbf16, #tpu.memory_space<vmem>>, vector<1x1024x64xbf16>
    %get3A_783 = vector.shape_cast %get3A_782 : vector<1x1024x64xbf16> to vector<1024x64xbf16>
    %add3A_784 = arith.constant 0 : i32
    %add3A_785 = arith.addi %mul3A_778, %add3A_784 : i32
    %get3A_786 = arith.index_cast %add3A_785 : i32 to index
    %get3A_787 = memref.load %arg2[%get3A_786] : memref<1024xi32, #tpu.memory_space<smem>>
    %get3A_788 = arith.index_cast %get3A_787 : i32 to index
    %get3A_789 = arith.constant 0 : index
    %get3A_790 = arith.constant 0 : index
    %get3A_791 = vector.load %arg11[%get3A_788, %get3A_789, %get3A_790] : memref<16x1024x64xbf16, #tpu.memory_space<vmem>>, vector<1x1024x64xbf16>
    %get3A_792 = vector.shape_cast %get3A_791 : vector<1x1024x64xbf16> to vector<1024x64xbf16>
    %add3A_793 = arith.constant 1 : i32
    %add3A_794 = arith.addi %mul3A_778, %add3A_793 : i32
    %get3A_795 = arith.index_cast %add3A_794 : i32 to index
    %get3A_796 = memref.load %arg2[%get3A_795] : memref<1024xi32, #tpu.memory_space<smem>>
    %get3A_797 = arith.index_cast %get3A_796 : i32 to index
    %get3A_798 = arith.constant 0 : index
    %get3A_799 = arith.constant 0 : index
    %get3A_800 = vector.load %arg11[%get3A_797, %get3A_798, %get3A_799] : memref<16x1024x64xbf16, #tpu.memory_space<vmem>>, vector<1x1024x64xbf16>
    %get3A_801 = vector.shape_cast %get3A_800 : vector<1x1024x64xbf16> to vector<1024x64xbf16>
    %add3A_802 = arith.constant 2 : i32
    %add3A_803 = arith.addi %mul3A_778, %add3A_802 : i32
    %get3A_804 = arith.index_cast %add3A_803 : i32 to index
    %get3A_805 = memref.load %arg2[%get3A_804] : memref<1024xi32, #tpu.memory_space<smem>>
    %get3A_806 = arith.index_cast %get3A_805 : i32 to index
    %get3A_807 = arith.constant 0 : index
    %get3A_808 = arith.constant 0 : index
    %get3A_809 = vector.load %arg11[%get3A_806, %get3A_807, %get3A_808] : memref<16x1024x64xbf16, #tpu.memory_space<vmem>>, vector<1x1024x64xbf16>
    %get3A_810 = vector.shape_cast %get3A_809 : vector<1x1024x64xbf16> to vector<1024x64xbf16>
    %add3A_811 = arith.constant 3 : i32
    %add3A_812 = arith.addi %mul3A_778, %add3A_811 : i32
    %get3A_813 = arith.index_cast %add3A_812 : i32 to index
    %get3A_814 = memref.load %arg2[%get3A_813] : memref<1024xi32, #tpu.memory_space<smem>>
    %get3A_815 = arith.index_cast %get3A_814 : i32 to index
    %get3A_816 = arith.constant 0 : index
    %get3A_817 = arith.constant 0 : index
    %get3A_818 = vector.load %arg11[%get3A_815, %get3A_816, %get3A_817] : memref<16x1024x64xbf16, #tpu.memory_space<vmem>>, vector<1x1024x64xbf16>
    %get3A_819 = vector.shape_cast %get3A_818 : vector<1x1024x64xbf16> to vector<1024x64xbf16>
    %concatenate3A_820 = tpu.concatenate %get3A_783, %get3A_792, %get3A_801, %get3A_810, %get3A_819 in 1 : vector<1024x64xbf16>, vector<1024x64xbf16>, vector<1024x64xbf16>, vector<1024x64xbf16>, vector<1024x64xbf16> -> vector<1024x320xbf16>
    %mul3A_821 = arith.constant 16 : i32
    %mul3A_822 = arith.muli %arg0, %mul3A_821 : i32
    %add3A_823 = arith.constant 14 : i32
    %add3A_824 = arith.addi %mul3A_822, %add3A_823 : i32
    %mul3A_825 = arith.constant 16 : i32
    %mul3A_826 = arith.muli %add3A_824, %mul3A_825 : i32
    %get3A_827 = arith.constant 14 : index
    %get3A_828 = arith.constant 0 : index
    %get3A_829 = arith.constant 0 : index
    %get3A_830 = vector.load %arg11[%get3A_827, %get3A_828, %get3A_829] : memref<16x1024x64xbf16, #tpu.memory_space<vmem>>, vector<1x1024x64xbf16>
    %get3A_831 = vector.shape_cast %get3A_830 : vector<1x1024x64xbf16> to vector<1024x64xbf16>
    %add3A_832 = arith.constant 0 : i32
    %add3A_833 = arith.addi %mul3A_826, %add3A_832 : i32
    %get3A_834 = arith.index_cast %add3A_833 : i32 to index
    %get3A_835 = memref.load %arg2[%get3A_834] : memref<1024xi32, #tpu.memory_space<smem>>
    %get3A_836 = arith.index_cast %get3A_835 : i32 to index
    %get3A_837 = arith.constant 0 : index
    %get3A_838 = arith.constant 0 : index
    %get3A_839 = vector.load %arg11[%get3A_836, %get3A_837, %get3A_838] : memref<16x1024x64xbf16, #tpu.memory_space<vmem>>, vector<1x1024x64xbf16>
    %get3A_840 = vector.shape_cast %get3A_839 : vector<1x1024x64xbf16> to vector<1024x64xbf16>
    %add3A_841 = arith.constant 1 : i32
    %add3A_842 = arith.addi %mul3A_826, %add3A_841 : i32
    %get3A_843 = arith.index_cast %add3A_842 : i32 to index
    %get3A_844 = memref.load %arg2[%get3A_843] : memref<1024xi32, #tpu.memory_space<smem>>
    %get3A_845 = arith.index_cast %get3A_844 : i32 to index
    %get3A_846 = arith.constant 0 : index
    %get3A_847 = arith.constant 0 : index
    %get3A_848 = vector.load %arg11[%get3A_845, %get3A_846, %get3A_847] : memref<16x1024x64xbf16, #tpu.memory_space<vmem>>, vector<1x1024x64xbf16>
    %get3A_849 = vector.shape_cast %get3A_848 : vector<1x1024x64xbf16> to vector<1024x64xbf16>
    %add3A_850 = arith.constant 2 : i32
    %add3A_851 = arith.addi %mul3A_826, %add3A_850 : i32
    %get3A_852 = arith.index_cast %add3A_851 : i32 to index
    %get3A_853 = memref.load %arg2[%get3A_852] : memref<1024xi32, #tpu.memory_space<smem>>
    %get3A_854 = arith.index_cast %get3A_853 : i32 to index
    %get3A_855 = arith.constant 0 : index
    %get3A_856 = arith.constant 0 : index
    %get3A_857 = vector.load %arg11[%get3A_854, %get3A_855, %get3A_856] : memref<16x1024x64xbf16, #tpu.memory_space<vmem>>, vector<1x1024x64xbf16>
    %get3A_858 = vector.shape_cast %get3A_857 : vector<1x1024x64xbf16> to vector<1024x64xbf16>
    %add3A_859 = arith.constant 3 : i32
    %add3A_860 = arith.addi %mul3A_826, %add3A_859 : i32
    %get3A_861 = arith.index_cast %add3A_860 : i32 to index
    %get3A_862 = memref.load %arg2[%get3A_861] : memref<1024xi32, #tpu.memory_space<smem>>
    %get3A_863 = arith.index_cast %get3A_862 : i32 to index
    %get3A_864 = arith.constant 0 : index
    %get3A_865 = arith.constant 0 : index
    %get3A_866 = vector.load %arg11[%get3A_863, %get3A_864, %get3A_865] : memref<16x1024x64xbf16, #tpu.memory_space<vmem>>, vector<1x1024x64xbf16>
    %get3A_867 = vector.shape_cast %get3A_866 : vector<1x1024x64xbf16> to vector<1024x64xbf16>
    %concatenate3A_868 = tpu.concatenate %get3A_831, %get3A_840, %get3A_849, %get3A_858, %get3A_867 in 1 : vector<1024x64xbf16>, vector<1024x64xbf16>, vector<1024x64xbf16>, vector<1024x64xbf16>, vector<1024x64xbf16> -> vector<1024x320xbf16>
    %mul3A_869 = arith.constant 16 : i32
    %mul3A_870 = arith.muli %arg0, %mul3A_869 : i32
    %add3A_871 = arith.constant 15 : i32
    %add3A_872 = arith.addi %mul3A_870, %add3A_871 : i32
    %mul3A_873 = arith.constant 16 : i32
    %mul3A_874 = arith.muli %add3A_872, %mul3A_873 : i32
    %get3A_875 = arith.constant 15 : index
    %get3A_876 = arith.constant 0 : index
    %get3A_877 = arith.constant 0 : index
    %get3A_878 = vector.load %arg11[%get3A_875, %get3A_876, %get3A_877] : memref<16x1024x64xbf16, #tpu.memory_space<vmem>>, vector<1x1024x64xbf16>
    %get3A_879 = vector.shape_cast %get3A_878 : vector<1x1024x64xbf16> to vector<1024x64xbf16>
    %add3A_880 = arith.constant 0 : i32
    %add3A_881 = arith.addi %mul3A_874, %add3A_880 : i32
    %get3A_882 = arith.index_cast %add3A_881 : i32 to index
    %get3A_883 = memref.load %arg2[%get3A_882] : memref<1024xi32, #tpu.memory_space<smem>>
    %get3A_884 = arith.index_cast %get3A_883 : i32 to index
    %get3A_885 = arith.constant 0 : index
    %get3A_886 = arith.constant 0 : index
    %get3A_887 = vector.load %arg11[%get3A_884, %get3A_885, %get3A_886] : memref<16x1024x64xbf16, #tpu.memory_space<vmem>>, vector<1x1024x64xbf16>
    %get3A_888 = vector.shape_cast %get3A_887 : vector<1x1024x64xbf16> to vector<1024x64xbf16>
    %add3A_889 = arith.constant 1 : i32
    %add3A_890 = arith.addi %mul3A_874, %add3A_889 : i32
    %get3A_891 = arith.index_cast %add3A_890 : i32 to index
    %get3A_892 = memref.load %arg2[%get3A_891] : memref<1024xi32, #tpu.memory_space<smem>>
    %get3A_893 = arith.index_cast %get3A_892 : i32 to index
    %get3A_894 = arith.constant 0 : index
    %get3A_895 = arith.constant 0 : index
    %get3A_896 = vector.load %arg11[%get3A_893, %get3A_894, %get3A_895] : memref<16x1024x64xbf16, #tpu.memory_space<vmem>>, vector<1x1024x64xbf16>
    %get3A_897 = vector.shape_cast %get3A_896 : vector<1x1024x64xbf16> to vector<1024x64xbf16>
    %add3A_898 = arith.constant 2 : i32
    %add3A_899 = arith.addi %mul3A_874, %add3A_898 : i32
    %get3A_900 = arith.index_cast %add3A_899 : i32 to index
    %get3A_901 = memref.load %arg2[%get3A_900] : memref<1024xi32, #tpu.memory_space<smem>>
    %get3A_902 = arith.index_cast %get3A_901 : i32 to index
    %get3A_903 = arith.constant 0 : index
    %get3A_904 = arith.constant 0 : index
    %get3A_905 = vector.load %arg11[%get3A_902, %get3A_903, %get3A_904] : memref<16x1024x64xbf16, #tpu.memory_space<vmem>>, vector<1x1024x64xbf16>
    %get3A_906 = vector.shape_cast %get3A_905 : vector<1x1024x64xbf16> to vector<1024x64xbf16>
    %add3A_907 = arith.constant 3 : i32
    %add3A_908 = arith.addi %mul3A_874, %add3A_907 : i32
    %get3A_909 = arith.index_cast %add3A_908 : i32 to index
    %get3A_910 = memref.load %arg2[%get3A_909] : memref<1024xi32, #tpu.memory_space<smem>>
    %get3A_911 = arith.index_cast %get3A_910 : i32 to index
    %get3A_912 = arith.constant 0 : index
    %get3A_913 = arith.constant 0 : index
    %get3A_914 = vector.load %arg11[%get3A_911, %get3A_912, %get3A_913] : memref<16x1024x64xbf16, #tpu.memory_space<vmem>>, vector<1x1024x64xbf16>
    %get3A_915 = vector.shape_cast %get3A_914 : vector<1x1024x64xbf16> to vector<1024x64xbf16>
    %concatenate3A_916 = tpu.concatenate %get3A_879, %get3A_888, %get3A_897, %get3A_906, %get3A_915 in 1 : vector<1024x64xbf16>, vector<1024x64xbf16>, vector<1024x64xbf16>, vector<1024x64xbf16>, vector<1024x64xbf16> -> vector<1024x320xbf16>
    %concatenate3A_917 = tpu.concatenate %concatenate3A, %concatenate3A_244, %concatenate3A_292, %concatenate3A_340, %concatenate3A_388, %concatenate3A_436, %concatenate3A_484, %concatenate3A_532, %concatenate3A_580, %concatenate3A_628, %concatenate3A_676, %concatenate3A_724, %concatenate3A_772, %concatenate3A_820, %concatenate3A_868, %concatenate3A_916 in 0 : vector<1024x320xbf16>, vector<1024x320xbf16>, vector<1024x320xbf16>, vector<1024x320xbf16>, vector<1024x320xbf16>, vector<1024x320xbf16>, vector<1024x320xbf16>, vector<1024x320xbf16>, vector<1024x320xbf16>, vector<1024x320xbf16>, vector<1024x320xbf16>, vector<1024x320xbf16>, vector<1024x320xbf16>, vector<1024x320xbf16>, vector<1024x320xbf16>, vector<1024x320xbf16> -> vector<16384x320xbf16>
    %dot_general3A = arith.constant dense<0.000000e+00> : vector<16384x128xf32>
    %dot_general3A_918 = tpu.matmul %concatenate3A_917, %get3A_140, %dot_general3A {dimension_numbers = #tpu.dot_dimension_numbers<[1], [0], [0], [1], [0, 0, 1, 1], [], []>, transpose_lhs_hint = false} : vector<16384x320xbf16>, vector<320x128xbf16>, vector<16384x128xf32> -> vector<16384x128xf32>
    %add3A_919 = vector.broadcast %get3A_146 : vector<1x128xf32> to vector<16384x128xf32>
    %add3A_920 = arith.addf %dot_general3A_918, %add3A_919 : vector<16384x128xf32>
    %mul3A_921 = arith.constant 0.707106769 : f32
    %mul3A_922 = vector.broadcast %mul3A_921 : f32 to vector<16384x128xf32>
    %mul3A_923 = arith.mulf %add3A_920, %mul3A_922 : vector<16384x128xf32>
    %erf3A = math.erf %mul3A_923 : vector<16384x128xf32>
    %mul3A_924 = arith.constant 5.000000e-01 : f32
    %mul3A_925 = vector.broadcast %mul3A_924 : f32 to vector<16384x128xf32>
    %mul3A_926 = arith.mulf %mul3A_925, %erf3A : vector<16384x128xf32>
    %add3A_927 = arith.constant 5.000000e-01 : f32
    %add3A_928 = vector.broadcast %add3A_927 : f32 to vector<16384x128xf32>
    %add3A_929 = arith.addf %mul3A_926, %add3A_928 : vector<16384x128xf32>
    %mul3A_930 = arith.mulf %add3A_920, %add3A_929 : vector<16384x128xf32>
    %convert_element_type3A_931 = arith.truncf %mul3A_930 : vector<16384x128xf32> to vector<16384x128xbf16>
    %dot_general3A_932 = arith.constant dense<0.000000e+00> : vector<16384x64xf32>
    %dot_general3A_933 = tpu.matmul %convert_element_type3A_931, %get3A_143, %dot_general3A_932 {dimension_numbers = #tpu.dot_dimension_numbers<[1], [0], [0], [1], [0, 0, 1, 1], [], []>, transpose_lhs_hint = false} : vector<16384x128xbf16>, vector<128x64xbf16>, vector<16384x64xf32> -> vector<16384x64xf32>
    %add3A_934 = vector.broadcast %get3A_149 : vector<1x64xf32> to vector<16384x64xf32>
    %add3A_935 = arith.addf %dot_general3A_933, %add3A_934 : vector<16384x64xf32>
    %slice3A_936 = vector.extract_strided_slice %get3A_3 {offsets = [0, 0], sizes = [1024, 128], strides = [1, 1]} : vector<1024x1024xf32> to vector<1024x128xf32>
    %slice3A_937 = vector.extract_strided_slice %add3A_935 {offsets = [0, 0], sizes = [1024, 64], strides = [1, 1]} : vector<16384x64xf32> to vector<1024x64xf32>
    %slice3A_938 = vector.extract_strided_slice %add3A_935 {offsets = [1024, 0], sizes = [1024, 64], strides = [1, 1]} : vector<16384x64xf32> to vector<1024x64xf32>
    %concatenate3A_939 = tpu.concatenate %slice3A_937, %slice3A_938 in 1 : vector<1024x64xf32>, vector<1024x64xf32> -> vector<1024x128xf32>
    %add3A_940 = arith.addf %slice3A_936, %concatenate3A_939 : vector<1024x128xf32>
    %swap3A_941 = arith.constant 0 : index
    %swap3A_942 = arith.constant 0 : index
    %swap3A_943 = arith.constant 0 : index
    %swap3A_944 = vector.load %arg10[%swap3A_941, %swap3A_942, %swap3A_943] : memref<1x1024x1024xf32, #tpu.memory_space<vmem>>, vector<1x1024x128xf32>
    %swap3A_945 = vector.shape_cast %swap3A_944 : vector<1x1024x128xf32> to vector<1024x128xf32>
    %swap3A_946 = vector.shape_cast %add3A_940 : vector<1024x128xf32> to vector<1x1024x128xf32>
    tpu.vector_store %arg10[%swap3A_941, %swap3A_942, %swap3A_943], %swap3A_946 {strides = array<i32>} : memref<1x1024x1024xf32, #tpu.memory_space<vmem>>, vector<1x1024x128xf32>,
    %slice3A_947 = vector.extract_strided_slice %get3A_3 {offsets = [0, 128], sizes = [1024, 128], strides = [1, 1]} : vector<1024x1024xf32> to vector<1024x128xf32>
    %slice3A_948 = vector.extract_strided_slice %add3A_935 {offsets = [2048, 0], sizes = [1024, 64], strides = [1, 1]} : vector<16384x64xf32> to vector<1024x64xf32>
    %slice3A_949 = vector.extract_strided_slice %add3A_935 {offsets = [3072, 0], sizes = [1024, 64], strides = [1, 1]} : vector<16384x64xf32> to vector<1024x64xf32>
    %concatenate3A_950 = tpu.concatenate %slice3A_948, %slice3A_949 in 1 : vector<1024x64xf32>, vector<1024x64xf32> -> vector<1024x128xf32>
    %add3A_951 = arith.addf %slice3A_947, %concatenate3A_950 : vector<1024x128xf32>
    %swap3A_952 = arith.constant 0 : index
    %swap3A_953 = arith.constant 0 : index
    %swap3A_954 = arith.constant 128 : index
    %swap3A_955 = vector.load %arg10[%swap3A_952, %swap3A_953, %swap3A_954] : memref<1x1024x1024xf32, #tpu.memory_space<vmem>>, vector<1x1024x128xf32>
    %swap3A_956 = vector.shape_cast %swap3A_955 : vector<1x1024x128xf32> to vector<1024x128xf32>
    %swap3A_957 = vector.shape_cast %add3A_951 : vector<1024x128xf32> to vector<1x1024x128xf32>
    tpu.vector_store %arg10[%swap3A_952, %swap3A_953, %swap3A_954], %swap3A_957 {strides = array<i32>} : memref<1x1024x1024xf32, #tpu.memory_space<vmem>>, vector<1x1024x128xf32>,
    %slice3A_958 = vector.extract_strided_slice %get3A_3 {offsets = [0, 256], sizes = [1024, 128], strides = [1, 1]} : vector<1024x1024xf32> to vector<1024x128xf32>
    %slice3A_959 = vector.extract_strided_slice %add3A_935 {offsets = [4096, 0], sizes = [1024, 64], strides = [1, 1]} : vector<16384x64xf32> to vector<1024x64xf32>
    %slice3A_960 = vector.extract_strided_slice %add3A_935 {offsets = [5120, 0], sizes = [1024, 64], strides = [1, 1]} : vector<16384x64xf32> to vector<1024x64xf32>
    %concatenate3A_961 = tpu.concatenate %slice3A_959, %slice3A_960 in 1 : vector<1024x64xf32>, vector<1024x64xf32> -> vector<1024x128xf32>
    %add3A_962 = arith.addf %slice3A_958, %concatenate3A_961 : vector<1024x128xf32>
    %swap3A_963 = arith.constant 0 : index
    %swap3A_964 = arith.constant 0 : index
    %swap3A_965 = arith.constant 256 : index
    %swap3A_966 = vector.load %arg10[%swap3A_963, %swap3A_964, %swap3A_965] : memref<1x1024x1024xf32, #tpu.memory_space<vmem>>, vector<1x1024x128xf32>
    %swap3A_967 = vector.shape_cast %swap3A_966 : vector<1x1024x128xf32> to vector<1024x128xf32>
    %swap3A_968 = vector.shape_cast %add3A_962 : vector<1024x128xf32> to vector<1x1024x128xf32>
    tpu.vector_store %arg10[%swap3A_963, %swap3A_964, %swap3A_965], %swap3A_968 {strides = array<i32>} : memref<1x1024x1024xf32, #tpu.memory_space<vmem>>, vector<1x1024x128xf32>,
    %slice3A_969 = vector.extract_strided_slice %get3A_3 {offsets = [0, 384], sizes = [1024, 128], strides = [1, 1]} : vector<1024x1024xf32> to vector<1024x128xf32>
    %slice3A_970 = vector.extract_strided_slice %add3A_935 {offsets = [6144, 0], sizes = [1024, 64], strides = [1, 1]} : vector<16384x64xf32> to vector<1024x64xf32>
    %slice3A_971 = vector.extract_strided_slice %add3A_935 {offsets = [7168, 0], sizes = [1024, 64], strides = [1, 1]} : vector<16384x64xf32> to vector<1024x64xf32>
    %concatenate3A_972 = tpu.concatenate %slice3A_970, %slice3A_971 in 1 : vector<1024x64xf32>, vector<1024x64xf32> -> vector<1024x128xf32>
    %add3A_973 = arith.addf %slice3A_969, %concatenate3A_972 : vector<1024x128xf32>
    %swap3A_974 = arith.constant 0 : index
    %swap3A_975 = arith.constant 0 : index
    %swap3A_976 = arith.constant 384 : index
    %swap3A_977 = vector.load %arg10[%swap3A_974, %swap3A_975, %swap3A_976] : memref<1x1024x1024xf32, #tpu.memory_space<vmem>>, vector<1x1024x128xf32>
    %swap3A_978 = vector.shape_cast %swap3A_977 : vector<1x1024x128xf32> to vector<1024x128xf32>
    %swap3A_979 = vector.shape_cast %add3A_973 : vector<1024x128xf32> to vector<1x1024x128xf32>
    tpu.vector_store %arg10[%swap3A_974, %swap3A_975, %swap3A_976], %swap3A_979 {strides = array<i32>} : memref<1x1024x1024xf32, #tpu.memory_space<vmem>>, vector<1x1024x128xf32>,
    %slice3A_980 = vector.extract_strided_slice %get3A_3 {offsets = [0, 512], sizes = [1024, 128], strides = [1, 1]} : vector<1024x1024xf32> to vector<1024x128xf32>
    %slice3A_981 = vector.extract_strided_slice %add3A_935 {offsets = [8192, 0], sizes = [1024, 64], strides = [1, 1]} : vector<16384x64xf32> to vector<1024x64xf32>
    %slice3A_982 = vector.extract_strided_slice %add3A_935 {offsets = [9216, 0], sizes = [1024, 64], strides = [1, 1]} : vector<16384x64xf32> to vector<1024x64xf32>
    %concatenate3A_983 = tpu.concatenate %slice3A_981, %slice3A_982 in 1 : vector<1024x64xf32>, vector<1024x64xf32> -> vector<1024x128xf32>
    %add3A_984 = arith.addf %slice3A_980, %concatenate3A_983 : vector<1024x128xf32>
    %swap3A_985 = arith.constant 0 : index
    %swap3A_986 = arith.constant 0 : index
    %swap3A_987 = arith.constant 512 : index
    %swap3A_988 = vector.load %arg10[%swap3A_985, %swap3A_986, %swap3A_987] : memref<1x1024x1024xf32, #tpu.memory_space<vmem>>, vector<1x1024x128xf32>
    %swap3A_989 = vector.shape_cast %swap3A_988 : vector<1x1024x128xf32> to vector<1024x128xf32>
    %swap3A_990 = vector.shape_cast %add3A_984 : vector<1024x128xf32> to vector<1x1024x128xf32>
    tpu.vector_store %arg10[%swap3A_985, %swap3A_986, %swap3A_987], %swap3A_990 {strides = array<i32>} : memref<1x1024x1024xf32, #tpu.memory_space<vmem>>, vector<1x1024x128xf32>,
    %slice3A_991 = vector.extract_strided_slice %get3A_3 {offsets = [0, 640], sizes = [1024, 128], strides = [1, 1]} : vector<1024x1024xf32> to vector<1024x128xf32>
    %slice3A_992 = vector.extract_strided_slice %add3A_935 {offsets = [10240, 0], sizes = [1024, 64], strides = [1, 1]} : vector<16384x64xf32> to vector<1024x64xf32>
    %slice3A_993 = vector.extract_strided_slice %add3A_935 {offsets = [11264, 0], sizes = [1024, 64], strides = [1, 1]} : vector<16384x64xf32> to vector<1024x64xf32>
    %concatenate3A_994 = tpu.concatenate %slice3A_992, %slice3A_993 in 1 : vector<1024x64xf32>, vector<1024x64xf32> -> vector<1024x128xf32>
    %add3A_995 = arith.addf %slice3A_991, %concatenate3A_994 : vector<1024x128xf32>
    %swap3A_996 = arith.constant 0 : index
    %swap3A_997 = arith.constant 0 : index
    %swap3A_998 = arith.constant 640 : index
    %swap3A_999 = vector.load %arg10[%swap3A_996, %swap3A_997, %swap3A_998] : memref<1x1024x1024xf32, #tpu.memory_space<vmem>>, vector<1x1024x128xf32>
    %swap3A_1000 = vector.shape_cast %swap3A_999 : vector<1x1024x128xf32> to vector<1024x128xf32>
    %swap3A_1001 = vector.shape_cast %add3A_995 : vector<1024x128xf32> to vector<1x1024x128xf32>
    tpu.vector_store %arg10[%swap3A_996, %swap3A_997, %swap3A_998], %swap3A_1001 {strides = array<i32>} : memref<1x1024x1024xf32, #tpu.memory_space<vmem>>, vector<1x1024x128xf32>,
    %slice3A_1002 = vector.extract_strided_slice %get3A_3 {offsets = [0, 768], sizes = [1024, 128], strides = [1, 1]} : vector<1024x1024xf32> to vector<1024x128xf32>
    %slice3A_1003 = vector.extract_strided_slice %add3A_935 {offsets = [12288, 0], sizes = [1024, 64], strides = [1, 1]} : vector<16384x64xf32> to vector<1024x64xf32>
    %slice3A_1004 = vector.extract_strided_slice %add3A_935 {offsets = [13312, 0], sizes = [1024, 64], strides = [1, 1]} : vector<16384x64xf32> to vector<1024x64xf32>
    %concatenate3A_1005 = tpu.concatenate %slice3A_1003, %slice3A_1004 in 1 : vector<1024x64xf32>, vector<1024x64xf32> -> vector<1024x128xf32>
    %add3A_1006 = arith.addf %slice3A_1002, %concatenate3A_1005 : vector<1024x128xf32>
    %swap3A_1007 = arith.constant 0 : index
    %swap3A_1008 = arith.constant 0 : index
    %swap3A_1009 = arith.constant 768 : index
    %swap3A_1010 = vector.load %arg10[%swap3A_1007, %swap3A_1008, %swap3A_1009] : memref<1x1024x1024xf32, #tpu.memory_space<vmem>>, vector<1x1024x128xf32>
    %swap3A_1011 = vector.shape_cast %swap3A_1010 : vector<1x1024x128xf32> to vector<1024x128xf32>
    %swap3A_1012 = vector.shape_cast %add3A_1006 : vector<1024x128xf32> to vector<1x1024x128xf32>
    tpu.vector_store %arg10[%swap3A_1007, %swap3A_1008, %swap3A_1009], %swap3A_1012 {strides = array<i32>} : memref<1x1024x1024xf32, #tpu.memory_space<vmem>>, vector<1x1024x128xf32>,
    %slice3A_1013 = vector.extract_strided_slice %get3A_3 {offsets = [0, 896], sizes = [1024, 128], strides = [1, 1]} : vector<1024x1024xf32> to vector<1024x128xf32>
    %slice3A_1014 = vector.extract_strided_slice %add3A_935 {offsets = [14336, 0], sizes = [1024, 64], strides = [1, 1]} : vector<16384x64xf32> to vector<1024x64xf32>
    %slice3A_1015 = vector.extract_strided_slice %add3A_935 {offsets = [15360, 0], sizes = [1024, 64], strides = [1, 1]} : vector<16384x64xf32> to vector<1024x64xf32>
    %concatenate3A_1016 = tpu.concatenate %slice3A_1014, %slice3A_1015 in 1 : vector<1024x64xf32>, vector<1024x64xf32> -> vector<1024x128xf32>
    %add3A_1017 = arith.addf %slice3A_1013, %concatenate3A_1016 : vector<1024x128xf32>
    %swap3A_1018 = arith.constant 0 : index
    %swap3A_1019 = arith.constant 0 : index
    %swap3A_1020 = arith.constant 896 : index
    %swap3A_1021 = vector.load %arg10[%swap3A_1018, %swap3A_1019, %swap3A_1020] : memref<1x1024x1024xf32, #tpu.memory_space<vmem>>, vector<1x1024x128xf32>
    %swap3A_1022 = vector.shape_cast %swap3A_1021 : vector<1x1024x128xf32> to vector<1024x128xf32>
    %swap3A_1023 = vector.shape_cast %add3A_1017 : vector<1024x128xf32> to vector<1x1024x128xf32>
    tpu.vector_store %arg10[%swap3A_1018, %swap3A_1019, %swap3A_1020], %swap3A_1023 {strides = array<i32>} : memref<1x1024x1024xf32, #tpu.memory_space<vmem>>, vector<1x1024x128xf32>,
    return
  }
  func.func @transform_0(%arg0: i32, %arg1: i32, %arg2: memref<1024xi32, #tpu.memory_space<smem>>) -> (i32, i32, i32) {
    %c0_i32 = arith.constant 0 : i32
    %c0_i32_0 = arith.constant 0 : i32
    return %arg0, %arg1, %c0_i32 : i32, i32, i32
  }
  func.func @transform_1(%arg0: i32, %arg1: i32, %arg2: memref<1024xi32, #tpu.memory_space<smem>>) -> (i32, i32) {
    %c0_i32 = arith.constant 0 : i32
    %c0_i32_0 = arith.constant 0 : i32
    %c0_i32_1 = arith.constant 0 : i32
    return %c0_i32, %c0_i32_0 : i32, i32
  }
  func.func @transform_2(%arg0: i32, %arg1: i32, %arg2: memref<1024xi32, #tpu.memory_space<smem>>) -> (i32, i32) {
    %c0_i32 = arith.constant 0 : i32
    %c0_i32_0 = arith.constant 0 : i32
    %c0_i32_1 = arith.constant 0 : i32
    return %c0_i32, %c0_i32_0 : i32, i32
  }
  func.func @transform_3(%arg0: i32, %arg1: i32, %arg2: memref<1024xi32, #tpu.memory_space<smem>>) -> (i32, i32) {
    %c0_i32 = arith.constant 0 : i32
    %c0_i32_0 = arith.constant 0 : i32
    %c0_i32_1 = arith.constant 0 : i32
    return %c0_i32, %c0_i32_0 : i32, i32
  }
  func.func @transform_4(%arg0: i32, %arg1: i32, %arg2: memref<1024xi32, #tpu.memory_space<smem>>) -> (i32, i32) {
    %c0_i32 = arith.constant 0 : i32
    %c0_i32_0 = arith.constant 0 : i32
    %c0_i32_1 = arith.constant 0 : i32
    return %c0_i32, %c0_i32_0 : i32, i32
  }
  func.func @transform_5(%arg0: i32, %arg1: i32, %arg2: memref<1024xi32, #tpu.memory_space<smem>>) -> (i32, i32) {
    %c0_i32 = arith.constant 0 : i32
    %c0_i32_0 = arith.constant 0 : i32
    %c0_i32_1 = arith.constant 0 : i32
    return %c0_i32, %c0_i32_0 : i32, i32
  }
  func.func @transform_6(%arg0: i32, %arg1: i32, %arg2: memref<1024xi32, #tpu.memory_space<smem>>) -> (i32, i32) {
    %c0_i32 = arith.constant 0 : i32
    %c0_i32_0 = arith.constant 0 : i32
    %c0_i32_1 = arith.constant 0 : i32
    return %c0_i32, %c0_i32_0 : i32, i32
  }
  func.func @transform_7(%arg0: i32, %arg1: i32, %arg2: memref<1024xi32, #tpu.memory_space<smem>>) -> (i32, i32, i32) {
    %c0_i32 = arith.constant 0 : i32
    %c0_i32_0 = arith.constant 0 : i32
    return %arg0, %arg1, %c0_i32 : i32, i32, i32
  }
}

</mosaic_0001>

<sc_bundles>
// kernel: kernel.5.cloned.1.call-start
scs
__scs_entry_jumppad:
0x0: {  	(pc) =	sbr.rel $0x88, $3  }
0x1: {  	(tag) =	ssettag $0x0;
	lr =	simm.s32 $0x1  }
0x2: {  	[smem:$0x3F96] =	sst lr;
	_ =	strace $0xD0000000  }
0x3: {  	_ = 	snop  }
0x4: {  	_ = 	snop  }
0x5: {  	_ = 	snop  }
0x6: {  	_ = 	snop  }
0x7: {  	_ = 	snop  }
__scs_overlays_trampoline_lowered:
0x8: {  	[smem:$0x3FA5] =	sst s0  }
0x9: {  	[smem:$0x3FA6] =	sst s1  }
0xa: {  	[smem:$0x3FA7] =	sst s2  }
0xb: {  	[smem:$0x3FA8] =	sst s3  }
0xc: {  	[smem:$0x3FA9] =	sst s4  }
0xd: {  	[smem:$0x3FAA] =	sst s5  }
0xe: {  	[smem:$0x3FAB] =	sst s6  }
0xf: {  	[smem:$0x3FAC] =	sst s7  }
0x10: {  	[smem:$0x3FAD] =	sst s8  }
0x11: {  	[smem:$0x3FAE] =	sst s9;
	s0 =	simm.s32 @!p0 $0x0  }
0x12: {  	s1 =	sld [smem:$0x3F94];
	s0 =	simm.s32 @p0 $0x1  }
0x13: {  	[smem:$0x3FAF] =	sst s0;
	s0 =	simm.s32 @!p1 $0x0  }
0x14: {  	s2 =	sld [smem:$0x3F93];
	s0 =	simm.s32 @p1 $0x1  }
0x15: {  	[smem:$0x3FB0] =	sst s0;
	s0 =	simm.s32 @!p2 $0x0  }
0x16: {  	s3 =	sld [smem:$0x3FDB];
	s0 =	simm.s32 @p2 $0x1  }
0x17: {  	s4 =	simm.s32 $0x1BF5;
	[smem:$0x3FB2] =	sst s0  }
0x18: {  	s0 =	sld [smem:$0x3F95];
	_ =	swait.ge [sflag:s4], $0x0  }
0x19: {  	s7 =	sld [smem:$0x3F96]  }
0x1a: {  	s8 =	sadd.s32 $0xFFFFE003, lr  }
0x1b: {  	s9 =	sadd.s32 $0xFFFFFEF7, lr;
	s5 =	simm.s32 $0xFFFFFFFF;
	p2 =	slt.u32 s8, $0xFFFFF086  }
0x1c: {  	p1 =	slt.u32 s9, $0xF7A;
	s5 =	simm.s32 @!p2 $0x0  }
0x1d: {  	s5 =	simm.s32 @p1 $0x1;
	p0 =	seq.s32 s7, s2  }
0x1e: {  	s7 =	smul.u32 @!p0 $0xF7A, s2;
	p2 =	seq.s32 @!p0 s5, $0x0  }
0x1f: {  	s9 =	smul.u32 $0xF7A, s1;
	s8 =	simm.s32 @!p0 $0x1BF5;
	p2 =	por !p2, p0  }
0x20: {  	[sflag:s8] =	ssyncset.s32 @!p0 $0xFFFFF086;
	s6 =	sadd.s32 @!p0 s3, s7;
	s7 =	simm.s32 @!p0 $0x108  }
0x21: {  	s3 =	sadd.s32 s3, s9;
	s6 =	sadd.s32 @!p0 $0x88, s6;
	s7 =	simm.s32 @p2 $0x1082  }
0x22: {  	[simem:s7], [sflag:s8] =	dma.local @!p0 [hbm:s6], $0xF7A  }
0x23: {  	s9 =	sor.u32 $0xD0000000, s2;
	s6 =	simm.s32 $0x108;
	_ =	swait.ge @!p0 [sflag:s8], $0x0  }
0x24: {  	s3 =	sadd.s32 $0x88, s3;
	s6 =	simm.s32 @!p1 $0x1082;
	[sflag:s4] =	ssyncset.s32 $0xFFFFF086  }
0x25: {  	[simem:s6], [sflag:s4] =	dma.local [hbm:s3], $0xF7A  }
0x26: {  	[smem:$0x3F96] =	sst s1;
	(tag) =	ssettag s2;
	_ =	strace s9  }
0x27: {  	s1 =	sld [smem:$0x3FA6]  }
0x28: {  	s2 =	sld [smem:$0x3FA7]  }
0x29: {  	s4 =	sld [smem:$0x3FA9]  }
0x2a: {  	p0 =	seq.s32 s5, $0x0;
	s5 =	sld [smem:$0x3FAA]  }
0x2b: {  	s6 =	sld [smem:$0x3FAB]  }
0x2c: {  	s7 =	sld [smem:$0x3FAC]  }
0x2d: {  	s3 =	simm.s32 $0x108;
	s8 =	sld [smem:$0x3FAD]  }
0x2e: {  	s3 =	simm.s32 @!p0 $0x1082;
	s9 =	sld [smem:$0x3FAE]  }
0x2f: {  	lr =	sadd.s32 s0, s3;
	s0 =	sld [smem:$0x3FA5]  }
0x30: {  	s3 =	sld [smem:$0x3FA8]  }
0x31: {  	[smem:$0x3FB1] =	sst s10  }
0x32: {  	s10 =	sld [smem:$0x3FAF];
	_ =	sdelay $0x3  }
0x33: {  	p0 =	seq.s32 s10, $0x1;
	s10 =	sld [smem:$0x3FB1];
	_ =	sdelay $0x3  }
0x34: {  	[smem:$0x3FB1] =	sst s10  }
0x35: {  	s10 =	sld [smem:$0x3FB0];
	_ =	sdelay $0x3  }
0x36: {  	p1 =	seq.s32 s10, $0x1;
	s10 =	sld [smem:$0x3FB1];
	_ =	sdelay $0x3  }
0x37: {  	[smem:$0x3FB1] =	sst s10  }
0x38: {  	s10 =	sld [smem:$0x3FB2]  }
0x39: {  	_ = 	snop;
	(pc) =	sbr.ind lr, $3  }
0x3a: {  	_ = 	snop  }
0x3b: {  	_ = 	snop  }
0x3c: {  	p2 =	seq.s32 s10, $0x1;
	s10 =	sld [smem:$0x3FB1]  }
0x3d: {  	_ =	shalt  }
0x3e: {  	_ =	shalt  }
0x3f: {  	_ =	shalt  }
0x40: {  	_ =	shalt  }
0x41: {  	_ =	shalt  }
0x42: {  	_ =	shalt  }
0x43: {  	_ =	shalt  }
0x44: {  	_ =	shalt  }
0x45: {  	_ =	shalt  }
0x46: {  	_ =	shalt  }
0x47: {  	_ =	shalt  }
0x48: {  	_ =	shalt  }
0x49: {  	_ =	shalt  }
0x4a: {  	_ =	shalt  }
0x4b: {  	_ =	shalt  }
0x4c: {  	_ =	shalt  }
0x4d: {  	_ =	shalt  }
0x4e: {  	_ =	shalt  }
0x4f: {  	_ =	shalt  }
0x50: {  	_ =	shalt  }
0x51: {  	_ =	shalt  }
0x52: {  	_ =	shalt  }
0x53: {  	_ =	shalt  }
0x54: {  	_ =	shalt  }
0x55: {  	_ =	shalt  }
0x56: {  	_ =	shalt  }
0x57: {  	_ =	shalt  }
0x58: {  	_ =	shalt  }
0x59: {  	_ =	shalt  }
0x5a: {  	_ =	shalt  }
0x5b: {  	_ =	shalt  }
0x5c: {  	_ =	shalt  }
0x5d: {  	_ =	shalt  }
0x5e: {  	_ =	shalt  }
0x5f: {  	_ =	shalt  }
0x60: {  	_ =	shalt  }
0x61: {  	_ =	shalt  }
0x62: {  	_ =	shalt  }
0x63: {  	_ =	shalt  }
0x64: {  	_ =	shalt  }
0x65: {  	_ =	shalt  }
0x66: {  	_ =	shalt  }
0x67: {  	_ =	shalt  }
0x68: {  	_ =	shalt  }
0x69: {  	_ =	shalt  }
0x6a: {  	_ =	shalt  }
0x6b: {  	_ =	shalt  }
0x6c: {  	_ =	shalt  }
0x6d: {  	_ =	shalt  }
0x6e: {  	_ =	shalt  }
0x6f: {  	_ =	shalt  }
0x70: {  	_ =	shalt  }
0x71: {  	_ =	shalt  }
0x72: {  	_ =	shalt  }
0x73: {  	_ =	shalt  }
0x74: {  	_ =	shalt  }
0x75: {  	_ =	shalt  }
0x76: {  	_ =	shalt  }
0x77: {  	_ =	shalt  }
0x78: {  	_ =	shalt  }
0x79: {  	_ =	shalt  }
0x7a: {  	_ =	shalt  }
0x7b: {  	_ =	shalt  }
0x7c: {  	_ =	shalt  }
0x7d: {  	_ =	shalt  }
0x7e: {  	_ =	shalt  }
0x7f: {  	_ =	shalt  }
0x80: {  	_ =	shalt  }
0x81: {  	_ =	shalt  }
0x82: {  	_ =	shalt  }
0x83: {  	_ =	shalt  }
0x84: {  	_ =	shalt  }
0x85: {  	_ =	shalt  }
0x86: {  	_ =	shalt  }
0x87: {  	_ =	shalt  }
.Lfunc_end0:
.L_simem_size_0:
called_computation_lowered:
.L_overlay_start_0:
0x88: {  	s2 =	sld [smem:$0x3FD9]  }
0x89: {  	s3 =	sld [smem:$0x3FFE];
	_ =	sdelay $0x1  }
0x8a: {  	s1 =	srdreg.scid  }
0x8b: {  	s0 =	sand.u32 $0x1, s1  }
0x8c: {  	s17 =	sshll.u32 s0, $0xA;
	s2 =	sadd.s32 s3, s2  }
0x8d: {  	s2 =	sadd.s32 s2, s17  }
0x8e: {  	[smem:$0x3FBD] =	sst s2  }
0x8f: {  	_ = 	snop  }
0x90: {  	s2 =	sld [smem:$0x3FD0];
	(tm) =	ssettm $0x1  }
0x91: {  	s18 =	sld [smem:$0x3FFB];
	_ =	sdelay $0x3  }
0x92: {  	_ =	strace s18  }
0x93: {  	s3 =	sld [smem:$0x3FFC];
	_ =	sdelay $0x3  }
0x94: {  	_ =	strace s3  }
0x95: {  	s3 =	sld [smem:$0x3FFD];
	_ =	sdelay $0x3  }
0x96: {  	_ =	strace s3  }
0x97: {  	_ =	strace $0x8FFFFFFF  }
0x98: {  	s19 =	sld [smem:$0x3FDB];
	_ =	sdelay $0x1  }
0x99: {  	s4 =	simm.s32 $_scs_section_size  }
0x9a: {  	s5 =	simm.s32 $_size__tile_overlayer_lowered;
	s6 =	simm.s32 $_tile_overlayer_lowered  }
0x9b: {  	s22 =	simm.s32 $0x1BFF;
	s21 =	sshll.u32 s6, $0x1;
	s3 =	sadd.s32 s4, s19  }
0x9c: {  	s7 =	simm.s32 $0x0;
	s20 =	sshll.u32 s5, $0x1;
	s5 =	sadd.s32 s21, s3  }
0x9d: {  	[timem:s7], [sflag:s22] =	dma.local [hbm:s5], s20  }
0x9e: {  	_ =	swait.ge [sflag:s22], s20  }
0x9f: {  	s4 =	ssub.s32 $0x0, s20;
	[sflag:s22] =	ssyncset.done $0x0  }
0xa0: {  	[sflag:s22] =	ssyncadd.s32 s4;
	_ =	sdelay $0x1  }
0xa1: {  	s23 =	simm.s32 $0x1B8B  }
0xa2: {  	_ =	swait.ge [sflag:s23], $0x1  }
0xa3: {  	[sflag:s23] =	ssyncset.done $0x0  }
0xa4: {  	s25 =	simm.s32 $0x1B8E;
	s24 =	sld [smem:$0x3FFE];
	[sflag:s23] =	ssyncadd.s32 $0xFFFFFFFF  }
0xa5: {  	s26 =	simm.s32 $execute0_lowered;
	[smem:$0x3FD2] =	sst s25  }
0xa6: {  	s5 =	sshll.u32 s26, $0x1;
	_ =	strace $0x80000046;
	[dreg:$0x1] =	wrdreg $0xFFFFFFFF  }
0xa7: {  	s28 =	simm.s32 $_size_execute0_lowered;
	s3 =	sadd.s32 s3, s5;
	[dreg:$0x0] =	wrdreg $0x0  }
0xa8: {  	s5 =	sshll.u32 s28, $0x1;
	[dreg:$0x2] =	wrdreg s3  }
0xa9: {  	[dreg:$0x3] =	wrdreg s5  }
0xaa: {  	[dreg:$0x4] =	wrdreg $0xC0  }
0xab: {  	_ =	task [dreg:s7], $0x5FFFF  }
0xac: {  	[dreg:$0x1] =	wrdreg $0xFFFFFFFF  }
0xad: {  	[dreg:$0x0] =	wrdreg $0x60  }
0xae: {  	[dreg:$0x2] =	wrdreg s2  }
0xaf: {  	[dreg:$0x3] =	wrdreg s24  }
0xb0: {  	[dreg:$0x4] =	wrdreg $0x9  }
0xb1: {  	_ =	task.clear_ibuf [dreg:s7], $0x5FFFF;
	_ =	strace $0x90000046  }
0xb2: {  	s29 =	simm.s32 $0x9;
	_ =	strace $0x80000048  }
0xb3: {  	_ =	swait.ge [sflag:s29], $0x1  }
0xb4: {  	[sflag:s29] =	ssyncadd.s32 $0xFFFFFFFF  }
0xb5: {  	_ =	strace $0x90000048  }
0xb6: {  	_ =	sfence  }
0xb7: {  	s30 =	sld [smem:$0x0];
	_ =	sdelay $0x2  }
0xb8: {  	s31 =	sshll.u32 s1, $0xD;
	s1 =	sshrl.u32 s1, $0x2  }
0xb9: {  	s3 =	sand.u32 $0x4000, s31;
	s1 =	sadd.s32 s1, s30  }
0xba: {  	s0 =	sor.u32 s3, s0;
	s1 =	sshll.u32 s1, $0x11  }
0xbb: {  	s0 =	sor.u32 s1, s0  }
0xbc: {  	s0 =	sadd.s32 $0x8F2B, s0  }
0xbd: {  	[sflag:s0] =	ssyncadd.remote.s32 $0x1  }
0xbe: {  	_ =	sfence.sel $0xFFFF  }
0xbf: {  	[dreg:$0x0] =	wrdreg $0xFFFFFFFF;
	(pc) =	sbr.abs _section_cstart, $3  }
0xc0: {  	[dreg:$0x1] =	wrdreg $0xFFFFFFFF  }
0xc1: {  	_ =	task.clear_ibuf [dreg:s7], $0x2FFFF;
	_ =	strace $0x9FFFFFFF  }
0xc2: {  	(tm) =	ssettm $0x7FFFFFFF  }
0xc3: {  	_ =	shalt  }
tec
execute0_lowered:
.L_overlay_start_1:
0x0: {  	(tag) =	ssettag $0x1  }
0x1: {  	s3 =	rddreg [dreg:$0x0]  }
0x2: {  	s5 =	rddreg [dreg:$0x1];
	s2 =	srdreg.scid  }
0x3: {  	s0 =	rddreg [dreg:$0x2];
	s1 =	stileid.u32;
	s6 =	sand.u32 $0x1, s2  }
0x4: {  	s2 =	simm.s32 $0x0;
	s4 =	sshll.u32 s1, $0x3;
	s7 =	sshll.u32 s6, $0x2  }
0x5: {  	[smem:$0x7FF] =	sst s2;
	s7 =	sor.u32 s7, s4  }
0x6: {  	_ =	strace $0x80000047;
	s4 =	sadd.s32 s3, s7;
	s3 =	simm.s32 $0x1  }
0x7: {  	[tilespmem:s2], [sflag:$0x1] =	stream.linear.gather [hbm4b:s4+s2], $0x20, $0x38;
	[tilespmem:$0x100] =	vst v63  }
0x8: {  	_ =	swait.ge [sflag:s3], $0x20  }
0x9: {  	[sflag:s3] =	ssyncset.done $0x0  }
0xa: {  	[sflag:s3] =	ssyncadd.s32 $0xFFFFFFE0  }
0xb: {  	v1 =	vld [tilespmem:$0x0]  }
0xc: {  	v2 =	vld [tilespmem:$0x10];
	_ =	sdelay $0x2  }
0xd: {  	v0 =	vlaneseq.u32  }
0xe: {  	(xrf1) =	vsort.dscd.msk.f32 $0xffff, v1, v0  }
0xf: {  	(xrf1) =	vsort.dscd.msk.f32 $0xffff, v2, v0;
	_ =	sdelay $0x7  }
0x10: {  	s6 =	ssub.s32 $0x2, s6  }
0x11: {  	s8 =	sshrl.u32 s6, $0x1  }
0x12: {  	s6 =	ssub.s32 s6, s8  }
0x13: {  	s31 =	smax.u32 s6, $0x1  }
0x14: {  	p0 =	sne.s32 s31, $0x1  }
.Ltmp0:
0x15: {  	_, v1, _ =	vpop (xrf1);
	(pc) =	sbr.rel @!p0 .LBB2_2-.Ltmp0, $4  }
0x16: {  	s5 =	sadd.s32 s7, s5;
	[tilespmem:$0x80] =	vst v1;
	_, v1, _ =	vpop (xrf1)  }
0x17: {  	s5 =	sadd.s32 $0x1C00, s5;
	s6 =	simm.s32 $0x80;
	[tilespmem:$0x90] =	vst v1  }
0x18: {  	[hbm4b:s5+s2] =	stream.linear.scatter [tilespmem:s6], [sflag:$0x1], $0x20, $0x38;
	[tilespmem:$0x100] =	vst v63  }
0x19: {  	s7 =	sadd.s32 $0xFFFFFFFF, s31;
	_ =	swait.ge [sflag:s3], $0x20  }
.LBB2_1:
0x1a: {  	p0 =	sne.s32 s7, $0x1;
	s7 =	sadd.s32 $0xFFFFFFFF, s7;
	[sflag:s3] =	ssyncset.done $0x0  }
0x1b: {  	[sflag:s3] =	ssyncadd.s32 $0xFFFFFFE0  }
0x1c: {  	[tilespmem:s2], [sflag:$0x1] =	stream.linear.gather [hbm4b:s4+s2], $0x20, $0x38;
	[tilespmem:$0x100] =	vst v63  }
0x1d: {  	_ =	swait.ge [sflag:s3], $0x20  }
0x1e: {  	[sflag:s3] =	ssyncset.done $0x0  }
0x1f: {  	[sflag:s3] =	ssyncadd.s32 $0xFFFFFFE0  }
0x20: {  	v1 =	vld [tilespmem:$0x0]  }
0x21: {  	v2 =	vld [tilespmem:$0x10];
	_ =	sdelay $0x3  }
0x22: {  	(xrf1) =	vsort.dscd.msk.f32 $0xffff, v1, v0  }
0x23: {  	(xrf1) =	vsort.dscd.msk.f32 $0xffff, v2, v0;
	_ =	sdelay $0xc  }
.Ltmp1:
0x24: {  	_, v1, _ =	vpop (xrf1);
	(pc) =	sbr.rel @p0 .LBB2_1-.Ltmp1, $4  }
0x25: {  	[tilespmem:$0x80] =	vst v1;
	_, v1, _ =	vpop (xrf1)  }
0x26: {  	[tilespmem:$0x90] =	vst v1  }
0x27: {  	[hbm4b:s5+s2] =	stream.linear.scatter [tilespmem:s6], [sflag:$0x1], $0x20, $0x38;
	[tilespmem:$0x100] =	vst v63  }
0x28: {  	_ =	swait.ge [sflag:s3], $0x20  }
.LBB2_2:
0x29: {  	[sflag:s3] =	ssyncset.done $0x0  }
0x2a: {  	[sflag:s3] =	ssyncadd.s32 $0xFFFFFFE0  }
0x2b: {  	_ =	sfence.sel $0x180000  }
0x2c: {  	[bflag:$0x0] =	sbarrier.arrive $0xFFFF  }
0x2d: {  	p0 =	sne.s32 s1, $0x0;
	_ =	strace $0x90000047  }
0x2e: {  	s0 =	sadd.s32 @!p0 $0x100000, s0;
	[bflag:$0x2] =	sbarrier.arrive $0xFFFF  }
0x2f: {  	[sflag:s0] =	ssyncadd.tile.s32 @!p0 $0x1;
	_ =	shalt  }
.Lfunc_end2:
_tile_overlayer_lowered:
.L_overlay_start_2:
0x30: {  	(tag) =	ssettag $0x2  }
0x31: {  	s0 =	rddreg [dreg:$0x0];
	s2 =	stileid.u32  }
0x32: {  	s1 =	rddreg [dreg:$0x1];
	p0 =	sne.s32 s2, $0x0  }
0x33: {  	s3 =	rddreg [dreg:$0x2];
	[bflag:$0x3] =	sbarrier.arrive $0xFFFF;
	s2 =	simm.s32 @!p0 $0x1C01  }
0x34: {  	[timem:s3], [sflag:s2] =	dma.local @!p0 [hbm:s0], s1  }
0x35: {  	s0 =	simm.s32 @!p0 $0x1  }
0x36: {  	_ =	swait.ge @!p0 [sflag:s0], s1  }
0x37: {  	s1 =	ssub.s32 @!p0 $0x0, s1;
	[sflag:s0] =	ssyncset.done @!p0 $0x0  }
0x38: {  	[sflag:s0] =	ssyncadd.s32 @!p0 s1  }
0x39: {  	[bflag:$0x3] =	sbarrier.arrive $0xFFFF  }
0x3a: {  	_ =	shalt  }

</sc_bundles>
